<compile_context>
chip_gen: v7x
topology: tpu7x:2x2x1
jax: 0.10.2.dev20260603
libtpu: 0.0.44.dev20260713+nightly
codegen_flags: <defaults>
</compile_context>

<pallas_src>
import functools

import jax
import jax.numpy as jnp
from jax import lax
from jax.experimental import pallas as pl
from jax.experimental.pallas import tpu as pltpu
from jax.experimental.pallas import tpu_sc as plsc

_EPS = 1e-08
_INF = float("inf")
_SENT = 1e9

_G = 4096
_N = 8192
_BM = 512
_BN = 1024
_NR = _N // _BM


def _extract_compact_kernel(p_hbm, g_hbm,
                            px_hbm, py_hbm, gx_hbm, gy_hbm, cnt_hbm,
                            sv, oxv, oyv, cntv):
    wid = lax.axis_index("s") * 2 + lax.axis_index("c")

    @pl.when(wid < 4)
    def _work():
        b = wid // 2

        @pl.when(wid % 2 == 0)
        def _load_pred():
            pltpu.sync_copy(p_hbm.at[b], sv.at[pl.ds(0, _G)])

        @pl.when(wid % 2 == 1)
        def _load_gt():
            pltpu.sync_copy(g_hbm.at[b], sv.at[pl.ds(0, _G)])

        sent = jnp.full((16,), _SENT, jnp.float32)
        one = jnp.full((16,), 1.0, jnp.float32)

        def pad_body(i, carry):
            sv[pl.ds(_G + i * 16, 16)] = one
            return carry

        lax.fori_loop(0, 5, pad_body, 0)

        def fill_body(i, carry):
            for u in range(8):
                sl = pl.ds(i * 128 + u * 16, 16)
                oxv[sl] = sent
                oyv[sl] = sent
            return carry

        lax.fori_loop(0, _N // 128, fill_body, 0)
        oxv[pl.ds(_N, 16)] = sent
        oyv[pl.ds(_N, 16)] = sent

        lane = lax.iota(jnp.int32, 16)
        trash = lane + _N

        def step(k, ptr):
            kv = k * 16 + lane
            i_f = (kv >> 6).astype(jnp.float32)
            j_f = (kv & 63).astype(jnp.float32)
            v1 = sv[pl.ds(k * 16, 16)]
            v2 = sv[pl.ds(k * 16 + 64, 16)]
            h2 = sv[pl.ds(k * 16 + 1, 16)]

            m1 = v1 == 0.0

            z2 = v2 == 0.0
            m3 = (~m1) & (~z2) & ((v1 * v2) < 0.0)
            a = jnp.abs(v1) / (jnp.abs(v1) + jnp.abs(v2) + _EPS)
            vi = jnp.where(m1, i_f, jnp.where((~m1) & z2, i_f + 1.0, i_f + a))
            mv = ((m1 | z2 | m3) & (i_f < 63.0)).astype(jnp.int32)
            idx = ptr * mv + trash * (1 - mv)
            plsc.store_scatter(oxv, [idx], vi)
            plsc.store_scatter(oyv, [idx], j_f)
            ptr = ptr + 16 * mv

            zh = h2 == 0.0
            n3 = (~m1) & (~zh) & ((v1 * h2) < 0.0)
            a2 = jnp.abs(v1) / (jnp.abs(v1) + jnp.abs(h2) + _EPS)
            hj = jnp.where(m1, j_f, jnp.where((~m1) & zh, j_f + 1.0, j_f + a2))
            mh = ((m1 | zh | n3) & (j_f < 63.0)).astype(jnp.int32)
            idx2 = ptr * mh + trash * (1 - mh)
            plsc.store_scatter(oxv, [idx2], i_f)
            plsc.store_scatter(oyv, [idx2], hj)
            return ptr + 16 * mh

        def body(k2, ptr):
            ptr = step(k2 * 2, ptr)
            return step(k2 * 2 + 1, ptr)

        ptr = lax.fori_loop(0, _G // 32, body, lane)

        cntv[...] = ptr

        @pl.when(wid % 2 == 0)
        def _to_pred():
            pltpu.sync_copy(oxv.at[pl.ds(0, _N)], px_hbm.at[b])
            pltpu.sync_copy(oyv.at[pl.ds(0, _N)], py_hbm.at[b])

        @pl.when(wid % 2 == 1)
        def _to_gt():
            pltpu.sync_copy(oxv.at[pl.ds(0, _N)], gx_hbm.at[b])
            pltpu.sync_copy(oyv.at[pl.ds(0, _N)], gy_hbm.at[b])

        pltpu.sync_copy(cntv, cnt_hbm.at[wid])


_extract_compact = functools.partial(
    pl.kernel,
    mesh=plsc.VectorSubcoreMesh(core_axis_name="c", subcore_axis_name="s"),
    compiler_params=pltpu.CompilerParams(needs_layout_passes=False),
    out_type=[
        jax.ShapeDtypeStruct((2, _N), jnp.float32),
        jax.ShapeDtypeStruct((2, _N), jnp.float32),
        jax.ShapeDtypeStruct((2, _N), jnp.float32),
        jax.ShapeDtypeStruct((2, _N), jnp.float32),
        jax.ShapeDtypeStruct((4, 16), jnp.int32),
    ],
    scratch_types=[
        pltpu.VMEM((_G + 80,), jnp.float32),
        pltpu.VMEM((_N + 16,), jnp.float32),
        pltpu.VMEM((_N + 16,), jnp.float32),
        pltpu.VMEM((16,), jnp.int32),
    ],
)(_extract_compact_kernel)


def _chamfer_kernel(cnt_ref, px_ref, py_ref, gx_ref, gy_ref, p_ref, g_ref,
                    out_ref, cmin_ref, acc_ref):
    b = pl.program_id(0)
    ep = cnt_ref[2 * b * 16]
    eg = cnt_ref[(2 * b + 1) * 16]
    for l in range(1, 16):
        ep = jnp.maximum(ep, cnt_ref[2 * b * 16 + l] - l)
        eg = jnp.maximum(eg, cnt_ref[(2 * b + 1) * 16 + l] - l)

    @pl.when(b == 0)
    def _init_total():
        acc_ref[0] = jnp.float32(0.0)

    cmin_ref[...] = jnp.full((1, _N), _INF, jnp.float32)
    sad = jnp.sum(jnp.abs(p_ref[...] - g_ref[...]))

    nc = (eg + _BN - 1) // _BN
    nr = (ep + _BM - 1) // _BM

    def row_body(rb, carry):
        sum1, c1 = carry
        rs = pl.ds(rb * _BM, _BM)
        x1 = px_ref[rs, :]
        y1 = py_ref[rs, :]

        def col_body(c, rmin):
            sl = pl.ds(c * _BN, _BN)
            x2 = gx_ref[:, sl]
            y2 = gy_ref[:, sl]
            dx = x1 - x2
            dy = y1 - y2
            d2 = dx * dx + dy * dy
            rmin_c = jnp.min(d2, axis=1, keepdims=True)
            cmin_c = jnp.min(d2, axis=0, keepdims=True)
            cmin_ref[:, sl] = jnp.minimum(cmin_ref[:, sl], cmin_c)
            return jnp.minimum(rmin, rmin_c)

        def col_pair(c2, carry):
            ra, rb = carry
            ra = col_body(2 * c2, ra)
            rb = col_body(2 * c2 + 1, rb)
            return ra, rb

        init = jnp.full((_BM, 1), _INF, jnp.float32)
        ra, rb = jax.lax.fori_loop(0, nc // 2, col_pair, (init, init))
        rmin = jax.lax.cond(
            nc % 2 == 1,
            lambda rm: col_body(nc - 1, rm),
            lambda rm: rm,
            jnp.minimum(ra, rb))

        pmask = x1 < _SENT
        sum1 = sum1 + jnp.sum(jnp.where(pmask, jnp.sqrt(rmin), 0.0))
        c1 = c1 + jnp.sum(pmask.astype(jnp.float32))
        return sum1, c1

    sum1, c1 = jax.lax.fori_loop(
        0, nr, row_body, (jnp.float32(0.0), jnp.float32(0.0)))

    gmask = gx_ref[...] < _SENT
    sum2 = jnp.sum(jnp.where(gmask, jnp.sqrt(cmin_ref[...]), 0.0))
    c2 = jnp.sum(gmask.astype(jnp.float32))
    mean1 = sum1 / jnp.maximum(c1, 1.0)
    mean2 = sum2 / jnp.maximum(c2, 1.0)
    res = jnp.where((c1 == 0.0) | (c2 == 0.0), _INF, -mean1 + mean2)
    loss_b = sad / float(_G) + jnp.abs(res)
    acc_ref[0] += loss_b
    out_ref[...] = jnp.full((8, 128), acc_ref[0], jnp.float32)


@jax.jit
def _run(y_pred, y_true):
    p = y_pred[:, 0]
    g = y_true[:, 0]
    B = p.shape[0]

    px, py, gx, gy, cnt = _extract_compact(
        p.reshape(B, _G), g.reshape(B, _G))

    px = px.reshape(B, _N, 1)
    py = py.reshape(B, _N, 1)
    gx = gx.reshape(B, 1, _N)
    gy = gy.reshape(B, 1, _N)

    cd = pl.pallas_call(
        _chamfer_kernel,
        grid_spec=pltpu.PrefetchScalarGridSpec(
            num_scalar_prefetch=1,
            grid=(B,),
            in_specs=[
                pl.BlockSpec((None, _N, 1), lambda b, cnt: (b, 0, 0)),
                pl.BlockSpec((None, _N, 1), lambda b, cnt: (b, 0, 0)),
                pl.BlockSpec((None, 1, _N), lambda b, cnt: (b, 0, 0)),
                pl.BlockSpec((None, 1, _N), lambda b, cnt: (b, 0, 0)),
                pl.BlockSpec((None, 64, 64), lambda b, cnt: (b, 0, 0)),
                pl.BlockSpec((None, 64, 64), lambda b, cnt: (b, 0, 0)),
            ],
            out_specs=pl.BlockSpec((None, 8, 128), lambda b, cnt: (0, 0, 0)),
            scratch_shapes=[
                pltpu.VMEM((1, _N), jnp.float32),
                pltpu.SMEM((1,), jnp.float32),
            ],
        ),
        out_shape=jax.ShapeDtypeStruct((1, 8, 128), jnp.float32),
    )(cnt.reshape(4 * 16), px, py, gx, gy, p, g)

    return cd[0, 0, 0]


def kernel(y_pred, y_true):
    return _run(y_pred, y_true)

# --- scband reference (transcript-rebuilt; emitter-appended) ---
"""Pipeline reference for scband-sdfchamfer-loss-35699768164444 (READ-ONLY COPY).

The authoritative reference and input builder live on the scoring server;
editing this copy changes nothing except your own understanding.
"""

import jax, jax.numpy as jnp
import numpy as np

W_SDF = 1.0
W_CD = 1.0
EPS = 1e-08


def _extract_zero_crossings(sdf_np):
    sdf_np = np.asarray(sdf_np, dtype=np.float32)
    H, W = sdf_np.shape
    chunks = []
    # vertical edges: pairs (i, j) and (i+1, j)
    v1 = sdf_np[:-1, :]
    v2 = sdf_np[1:, :]
    ii, jj = np.meshgrid(np.arange(H - 1, dtype=np.float32), np.arange(W, dtype=np.float32), indexing='ij')
    m1 = v1 == 0
    m2 = (~m1) & (v2 == 0)
    m3 = (~m1) & (~(v2 == 0)) & (v1 * v2 < 0)
    if m1.any():
        chunks.append(np.stack([ii[m1], jj[m1]], axis=1))
    if m2.any():
        chunks.append(np.stack([ii[m2] + 1.0, jj[m2]], axis=1))
    if m3.any():
        a = np.abs(v1) / (np.abs(v1) + np.abs(v2) + EPS)
        chunks.append(np.stack([ii[m3] + a[m3], jj[m3]], axis=1))
    # horizontal edges: pairs (i, j) and (i, j+1)
    h1 = sdf_np[:, :-1]
    h2 = sdf_np[:, 1:]
    ii2, jj2 = np.meshgrid(np.arange(H, dtype=np.float32), np.arange(W - 1, dtype=np.float32), indexing='ij')
    n1 = h1 == 0
    n2 = (~n1) & (h2 == 0)
    n3 = (~n1) & (~(h2 == 0)) & (h1 * h2 < 0)
    if n1.any():
        chunks.append(np.stack([ii2[n1], jj2[n1]], axis=1))
    if n2.any():
        chunks.append(np.stack([ii2[n2], jj2[n2] + 1.0], axis=1))
    if n3.any():
        a2 = np.abs(h1) / (np.abs(h1) + np.abs(h2) + EPS)
        chunks.append(np.stack([ii2[n3], jj2[n3] + a2[n3]], axis=1))
    if not chunks:
        return np.zeros((0, 2), dtype=np.float32)
    return np.concatenate(chunks, axis=0).astype(np.float32)


def _chamfer(p1, p2):
    if p1.shape[0] == 0 or p2.shape[0] == 0:
        return jnp.asarray(np.inf, dtype=jnp.float32)
    diff = p1[:, None, :] - p2[None, :, :]
    d = jnp.sqrt(jnp.sum(diff * diff, axis=2))
    m1 = jnp.min(d, axis=1)
    m2 = jnp.min(d, axis=0)
    return -jnp.mean(m1) + jnp.mean(m2)


def _extract_zero_crossings_masked(sdf):
    sdf = sdf.astype(jnp.float32)
    H, W = sdf.shape
    # vertical edges: pairs (i, j) and (i+1, j) -> (H-1)*W candidates
    v1 = sdf[:-1, :]
    v2 = sdf[1:, :]
    ii, jj = jnp.meshgrid(jnp.arange(H - 1, dtype=jnp.float32), jnp.arange(W, dtype=jnp.float32), indexing='ij')
    m1 = v1 == 0
    m2 = (~m1) & (v2 == 0)
    m3 = (~m1) & (~(v2 == 0)) & (v1 * v2 < 0)
    a = jnp.abs(v1) / (jnp.abs(v1) + jnp.abs(v2) + EPS)
    vi = jnp.where(m1, ii, jnp.where(m2, ii + 1.0, ii + a))
    vj = jj
    vvalid = m1 | m2 | m3
    vpts = jnp.stack([vi.reshape(-1), vj.reshape(-1)], axis=1)
    # horizontal edges: pairs (i, j) and (i, j+1) -> H*(W-1) candidates
    h1 = sdf[:, :-1]
    h2 = sdf[:, 1:]
    ii2, jj2 = jnp.meshgrid(jnp.arange(H, dtype=jnp.float32), jnp.arange(W - 1, dtype=jnp.float32), indexing='ij')
    n1 = h1 == 0
    n2 = (~n1) & (h2 == 0)
    n3 = (~n1) & (~(h2 == 0)) & (h1 * h2 < 0)
    a2 = jnp.abs(h1) / (jnp.abs(h1) + jnp.abs(h2) + EPS)
    hi = ii2
    hj = jnp.where(n1, jj2, jnp.where(n2, jj2 + 1.0, jj2 + a2))
    hvalid = n1 | n2 | n3
    hpts = jnp.stack([hi.reshape(-1), hj.reshape(-1)], axis=1)
    pts = jnp.concatenate([vpts, hpts], axis=0)
    valid = jnp.concatenate([vvalid.reshape(-1), hvalid.reshape(-1)], axis=0)
    return pts, valid


def _chamfer_masked(p1, valid1, p2, valid2):
    inf = jnp.asarray(np.inf, dtype=jnp.float32)
    diff = p1[:, None, :] - p2[None, :, :]
    d = jnp.sqrt(jnp.sum(diff * diff, axis=2))
    d1 = jnp.where(valid2[None, :], d, inf)
    d2 = jnp.where(valid1[:, None], d, inf)
    m1 = jnp.min(d1, axis=1)
    m2 = jnp.min(d2, axis=0)
    c1 = jnp.sum(valid1.astype(jnp.float32))
    c2 = jnp.sum(valid2.astype(jnp.float32))
    mean1 = jnp.sum(jnp.where(valid1, m1, 0.0)) / jnp.maximum(c1, 1.0)
    mean2 = jnp.sum(jnp.where(valid2, m2, 0.0)) / jnp.maximum(c2, 1.0)
    res = -mean1 + mean2
    return jnp.where((c1 == 0) | (c2 == 0), inf, res)


def setup_inputs(seed: int = 0) -> dict:
    key = jax.random.key(seed)
    k1, k2 = jax.random.split(key)
    y_pred = jax.random.normal(k1, (2, 1, 64, 64), dtype=jnp.float32)
    y_true = jax.random.normal(k2, (2, 1, 64, 64), dtype=jnp.float32)
    return {"y_pred": y_pred, "y_true": y_true}


def reference(y_pred, y_true):
    pred = y_pred[:, 0]
    gt = y_true[:, 0]
    total = jnp.asarray(0.0, dtype=jnp.float32)
    for b in range(pred.shape[0]):
        p = pred[b]
        g = gt[b]
        # weight_zc == 0.0 -> loss_zc term skipped (matches torch module)
        loss_sdf = W_SDF * jnp.mean(jnp.abs(p - g))
        pzc, pvalid = _extract_zero_crossings_masked(p)
        gzc, gvalid = _extract_zero_crossings_masked(g)
        cd = _chamfer_masked(pzc, pvalid, gzc, gvalid)
        loss_cd = W_CD * jnp.abs(cd)
        total = total + loss_sdf + loss_cd
    return total

if __name__ == "__main__":
    import jax
    _d = setup_inputs()
    print(jax.jit(kernel)(*tuple(_d.values())))

</pallas_src>

<mosaic_0001>
#map = affine_map<(d0, d1) -> (0, 0)>
module attributes {stable_mosaic.version = 14 : i64} {
  func.func @_extract_compact_kernel(%arg0: i32, %arg1: i32, %arg2: memref<2x4096xf32, #tpu.memory_space<hbm>>, %arg3: memref<2x4096xf32, #tpu.memory_space<hbm>>, %arg4: memref<2x8192xf32, #tpu.memory_space<hbm>>, %arg5: memref<2x8192xf32, #tpu.memory_space<hbm>>, %arg6: memref<2x8192xf32, #tpu.memory_space<hbm>>, %arg7: memref<2x8192xf32, #tpu.memory_space<hbm>>, %arg8: memref<4x16xi32, #tpu.memory_space<hbm>>, %arg9: memref<4176xf32, #tpu.memory_space<vmem>>, %arg10: memref<8208xf32, #tpu.memory_space<vmem>>, %arg11: memref<8208xf32, #tpu.memory_space<vmem>>, %arg12: memref<16xi32, #tpu.memory_space<vmem>>) attributes {dimension_semantics = [#tpu.dimension_semantics<core_parallel>, #tpu.dimension_semantics<subcore_parallel>], iteration_bounds = array<i64: 2, 16>, scalar_prefetch = 0 : i64, scratch_operands = 4 : i64, tpu.core_type = #tpu.core_type<sc_vector_subcore>, window_params = [{transform_indices = #map}, {transform_indices = #map}, {transform_indices = #map}, {transform_indices = #map}, {transform_indices = #map}, {transform_indices = #map}, {transform_indices = #map}]} {
    %mul3A = arith.constant 2 : i32
    %mul3A_0 = arith.muli %arg1, %mul3A : i32
    %add3A = arith.addi %mul3A_0, %arg0 : i32
    %lt3A = arith.constant 4 : i32
    %lt3A_1 = arith.cmpi slt, %add3A, %lt3A : i32
    %convert_element_type3A = arith.extui %lt3A_1 : i1 to i32
    %cond3A = arith.constant 0 : i32
    %cond3A_2 = arith.cmpi ne, %convert_element_type3A, %cond3A : i32
    scf.if %cond3A_2 {
      %jit3A = arith.constant 2 : i32
      %div3A = arith.divsi %add3A, %jit3A : i32
      %sign3A = arith.constant 0 : i32
      %sign3A_3 = arith.cmpi sgt, %add3A, %sign3A : i32
      %sign3A_4 = arith.extui %sign3A_3 : i1 to i32
      %sign3A_5 = arith.constant 0 : i32
      %sign3A_6 = arith.cmpi slt, %add3A, %sign3A_5 : i32
      %sign3A_7 = arith.extui %sign3A_6 : i1 to i32
      %sign3A_8 = arith.subi %sign3A_4, %sign3A_7 : i32
      %sign3A_9 = arith.constant 0 : i32
      %sign3A_10 = arith.cmpi sgt, %jit3A, %sign3A_9 : i32
      %sign3A_11 = arith.extui %sign3A_10 : i1 to i32
      %sign3A_12 = arith.constant 0 : i32
      %sign3A_13 = arith.cmpi slt, %jit3A, %sign3A_12 : i32
      %sign3A_14 = arith.extui %sign3A_13 : i1 to i32
      %sign3A_15 = arith.subi %sign3A_11, %sign3A_14 : i32
      %ne3A = arith.cmpi ne, %sign3A_8, %sign3A_15 : i32
      %rem3A = arith.remsi %add3A, %jit3A : i32
      %ne3A_16 = arith.constant 0 : i32
      %ne3A_17 = arith.cmpi ne, %rem3A, %ne3A_16 : i32
      %and3A = arith.andi %ne3A, %ne3A_17 : i1
      %sub3A = arith.constant 1 : i32
      %sub3A_18 = arith.subi %div3A, %sub3A : i32
      %select_n3A = arith.select %and3A, %sub3A_18, %div3A : i32
      %jit3A_19 = arith.constant 2 : i32
      %eq3A = arith.constant 0 : i32
      %eq3A_20 = arith.cmpi eq, %jit3A_19, %eq3A : i32
      %jit3A_21 = arith.constant 1 : i32
      %select_n3A_22 = arith.select %eq3A_20, %jit3A_21, %jit3A_19 : i32
      %rem3A_23 = arith.remsi %add3A, %select_n3A_22 : i32
      %ne3A_24 = arith.constant 0 : i32
      %ne3A_25 = arith.cmpi ne, %rem3A_23, %ne3A_24 : i32
      %lt3A_26 = arith.constant 0 : i32
      %lt3A_27 = arith.cmpi slt, %rem3A_23, %lt3A_26 : i32
      %lt3A_28 = arith.constant 0 : i32
      %lt3A_29 = arith.cmpi slt, %select_n3A_22, %lt3A_28 : i32
      %ne3A_30 = arith.xori %lt3A_27, %lt3A_29 : i1
      %and3A_31 = arith.andi %ne3A_30, %ne3A_25 : i1
      %add3A_32 = arith.addi %rem3A_23, %select_n3A_22 : i32
      %select_n3A_33 = arith.select %and3A_31, %add3A_32, %rem3A_23 : i32
      %eq3A_34 = arith.constant 0 : i32
      %eq3A_35 = arith.cmpi eq, %select_n3A_33, %eq3A_34 : i32
      %convert_element_type3A_36 = arith.extui %eq3A_35 : i1 to i32
      %cond3A_37 = arith.constant 0 : i32
      %cond3A_38 = arith.cmpi ne, %convert_element_type3A_36, %cond3A_37 : i32
      scf.if %cond3A_38 {
        "tpu.region"() ({
          %run_scoped3A = tpu.sem_alloc : memref<!tpu.dma_semaphore, #tpu.memory_space<semaphore_mem>>
          %dma_start3A = arith.constant 0 : i32
          %dma_start3A_130 = tpu.memref_slice %arg9[%dma_start3A] : memref<4176xf32, #tpu.memory_space<vmem>> -> memref<4096xf32, #tpu.memory_space<vmem>>
          %dma_start3A_131 = arith.constant 0 : i32
          %dma_start3A_132 = tpu.memref_slice %arg2[%select_n3A, %dma_start3A_131] : memref<2x4096xf32, #tpu.memory_space<hbm>> -> memref<1x4096xf32, #tpu.memory_space<hbm>>
          %dma_start3A_133 = tpu.memref_squeeze %dma_start3A_132 : memref<1x4096xf32, #tpu.memory_space<hbm>> -> memref<4096xf32, #tpu.memory_space<hbm>>
          %dma_start3A_134 = arith.constant 0 : i32
          %dma_start3A_135 = tpu.memref_slice %arg9[%dma_start3A_134] : memref<4176xf32, #tpu.memory_space<vmem>> -> memref<4096xf32, #tpu.memory_space<vmem>>
          %dma_start3A_136 = arith.constant 0 : i32
          %dma_start3A_137 = tpu.memref_slice %arg2[%select_n3A, %dma_start3A_136] : memref<2x4096xf32, #tpu.memory_space<hbm>> -> memref<1x4096xf32, #tpu.memory_space<hbm>>
          %dma_start3A_138 = tpu.memref_squeeze %dma_start3A_137 : memref<1x4096xf32, #tpu.memory_space<hbm>> -> memref<4096xf32, #tpu.memory_space<hbm>>
          tpu.enqueue_dma source(%dma_start3A_138 : memref<4096xf32, #tpu.memory_space<hbm>>) target(%dma_start3A_135 : memref<4096xf32, #tpu.memory_space<vmem>>) target_semaphore(%run_scoped3A : memref<!tpu.dma_semaphore, #tpu.memory_space<semaphore_mem>>)
          %dma_wait3A = arith.constant 0 : i32
          %dma_wait3A_139 = tpu.memref_slice %arg9[%dma_wait3A] : memref<4176xf32, #tpu.memory_space<vmem>> -> memref<4096xf32, #tpu.memory_space<vmem>>
          %dma_wait3A_140 = arith.constant 0 : i32
          %dma_wait3A_141 = tpu.memref_slice %arg2[%select_n3A, %dma_wait3A_140] : memref<2x4096xf32, #tpu.memory_space<hbm>> -> memref<1x4096xf32, #tpu.memory_space<hbm>>
          %dma_wait3A_142 = tpu.memref_squeeze %dma_wait3A_141 : memref<1x4096xf32, #tpu.memory_space<hbm>> -> memref<4096xf32, #tpu.memory_space<hbm>>
          %dma_wait3A_143 = arith.constant 0 : i32
          %dma_wait3A_144 = tpu.memref_slice %arg9[%dma_wait3A_143] : memref<4176xf32, #tpu.memory_space<vmem>> -> memref<4096xf32, #tpu.memory_space<vmem>>
          %dma_wait3A_145 = arith.constant 0 : i32
          %dma_wait3A_146 = tpu.memref_slice %arg2[%select_n3A, %dma_wait3A_145] : memref<2x4096xf32, #tpu.memory_space<hbm>> -> memref<1x4096xf32, #tpu.memory_space<hbm>>
          %dma_wait3A_147 = tpu.memref_squeeze %dma_wait3A_146 : memref<1x4096xf32, #tpu.memory_space<hbm>> -> memref<4096xf32, #tpu.memory_space<hbm>>
          tpu.wait_dma2 semaphore(%run_scoped3A : memref<!tpu.dma_semaphore, #tpu.memory_space<semaphore_mem>>) src(%dma_wait3A_147 : memref<4096xf32, #tpu.memory_space<hbm>>) dst(%dma_wait3A_144 : memref<4096xf32, #tpu.memory_space<vmem>>)
          tpu.yield
        }) : () -> ()
      } else {
      }
      %jit3A_39 = arith.constant 2 : i32
      %eq3A_40 = arith.constant 0 : i32
      %eq3A_41 = arith.cmpi eq, %jit3A_39, %eq3A_40 : i32
      %jit3A_42 = arith.constant 1 : i32
      %select_n3A_43 = arith.select %eq3A_41, %jit3A_42, %jit3A_39 : i32
      %rem3A_44 = arith.remsi %add3A, %select_n3A_43 : i32
      %ne3A_45 = arith.constant 0 : i32
      %ne3A_46 = arith.cmpi ne, %rem3A_44, %ne3A_45 : i32
      %lt3A_47 = arith.constant 0 : i32
      %lt3A_48 = arith.cmpi slt, %rem3A_44, %lt3A_47 : i32
      %lt3A_49 = arith.constant 0 : i32
      %lt3A_50 = arith.cmpi slt, %select_n3A_43, %lt3A_49 : i32
      %ne3A_51 = arith.xori %lt3A_48, %lt3A_50 : i1
      %and3A_52 = arith.andi %ne3A_51, %ne3A_46 : i1
      %add3A_53 = arith.addi %rem3A_44, %select_n3A_43 : i32
      %select_n3A_54 = arith.select %and3A_52, %add3A_53, %rem3A_44 : i32
      %eq3A_55 = arith.constant 1 : i32
      %eq3A_56 = arith.cmpi eq, %select_n3A_54, %eq3A_55 : i32
      %convert_element_type3A_57 = arith.extui %eq3A_56 : i1 to i32
      %cond3A_58 = arith.constant 0 : i32
      %cond3A_59 = arith.cmpi ne, %convert_element_type3A_57, %cond3A_58 : i32
      scf.if %cond3A_59 {
        "tpu.region"() ({
          %run_scoped3A = tpu.sem_alloc : memref<!tpu.dma_semaphore, #tpu.memory_space<semaphore_mem>>
          %dma_start3A = arith.constant 0 : i32
          %dma_start3A_130 = tpu.memref_slice %arg9[%dma_start3A] : memref<4176xf32, #tpu.memory_space<vmem>> -> memref<4096xf32, #tpu.memory_space<vmem>>
          %dma_start3A_131 = arith.constant 0 : i32
          %dma_start3A_132 = tpu.memref_slice %arg3[%select_n3A, %dma_start3A_131] : memref<2x4096xf32, #tpu.memory_space<hbm>> -> memref<1x4096xf32, #tpu.memory_space<hbm>>
          %dma_start3A_133 = tpu.memref_squeeze %dma_start3A_132 : memref<1x4096xf32, #tpu.memory_space<hbm>> -> memref<4096xf32, #tpu.memory_space<hbm>>
          %dma_start3A_134 = arith.constant 0 : i32
          %dma_start3A_135 = tpu.memref_slice %arg9[%dma_start3A_134] : memref<4176xf32, #tpu.memory_space<vmem>> -> memref<4096xf32, #tpu.memory_space<vmem>>
          %dma_start3A_136 = arith.constant 0 : i32
          %dma_start3A_137 = tpu.memref_slice %arg3[%select_n3A, %dma_start3A_136] : memref<2x4096xf32, #tpu.memory_space<hbm>> -> memref<1x4096xf32, #tpu.memory_space<hbm>>
          %dma_start3A_138 = tpu.memref_squeeze %dma_start3A_137 : memref<1x4096xf32, #tpu.memory_space<hbm>> -> memref<4096xf32, #tpu.memory_space<hbm>>
          tpu.enqueue_dma source(%dma_start3A_138 : memref<4096xf32, #tpu.memory_space<hbm>>) target(%dma_start3A_135 : memref<4096xf32, #tpu.memory_space<vmem>>) target_semaphore(%run_scoped3A : memref<!tpu.dma_semaphore, #tpu.memory_space<semaphore_mem>>)
          %dma_wait3A = arith.constant 0 : i32
          %dma_wait3A_139 = tpu.memref_slice %arg9[%dma_wait3A] : memref<4176xf32, #tpu.memory_space<vmem>> -> memref<4096xf32, #tpu.memory_space<vmem>>
          %dma_wait3A_140 = arith.constant 0 : i32
          %dma_wait3A_141 = tpu.memref_slice %arg3[%select_n3A, %dma_wait3A_140] : memref<2x4096xf32, #tpu.memory_space<hbm>> -> memref<1x4096xf32, #tpu.memory_space<hbm>>
          %dma_wait3A_142 = tpu.memref_squeeze %dma_wait3A_141 : memref<1x4096xf32, #tpu.memory_space<hbm>> -> memref<4096xf32, #tpu.memory_space<hbm>>
          %dma_wait3A_143 = arith.constant 0 : i32
          %dma_wait3A_144 = tpu.memref_slice %arg9[%dma_wait3A_143] : memref<4176xf32, #tpu.memory_space<vmem>> -> memref<4096xf32, #tpu.memory_space<vmem>>
          %dma_wait3A_145 = arith.constant 0 : i32
          %dma_wait3A_146 = tpu.memref_slice %arg3[%select_n3A, %dma_wait3A_145] : memref<2x4096xf32, #tpu.memory_space<hbm>> -> memref<1x4096xf32, #tpu.memory_space<hbm>>
          %dma_wait3A_147 = tpu.memref_squeeze %dma_wait3A_146 : memref<1x4096xf32, #tpu.memory_space<hbm>> -> memref<4096xf32, #tpu.memory_space<hbm>>
          tpu.wait_dma2 semaphore(%run_scoped3A : memref<!tpu.dma_semaphore, #tpu.memory_space<semaphore_mem>>) src(%dma_wait3A_147 : memref<4096xf32, #tpu.memory_space<hbm>>) dst(%dma_wait3A_144 : memref<4096xf32, #tpu.memory_space<vmem>>)
          tpu.yield
        }) : () -> ()
      } else {
      }
      %broadcast_in_dim3A = arith.constant 1.000000e+09 : f32
      %broadcast_in_dim3A_60 = vector.broadcast %broadcast_in_dim3A : f32 to vector<16xf32>
      %broadcast_in_dim3A_61 = arith.constant 1.000000e+00 : f32
      %broadcast_in_dim3A_62 = vector.broadcast %broadcast_in_dim3A_61 : f32 to vector<16xf32>
      %scan3A = arith.constant 0 : i32
      %scan3A_63 = arith.constant 0 : i32
      %scan3A_64 = arith.constant 5 : i32
      %scan3A_65 = arith.addi %scan3A_63, %scan3A_64 : i32
      %scan3A_66 = arith.constant 1 : i32
      scf.for %scan3A_130 = %scan3A_63 to %scan3A_65 step %scan3A_66  : i32 {
        %mul3A_131 = arith.constant 16 : i32
        %mul3A_132 = arith.muli %scan3A_130, %mul3A_131 : i32
        %add3A_133 = arith.constant 4096 : i32
        %add3A_134 = arith.addi %add3A_133, %mul3A_132 : i32
        %swap3A_135 = arith.index_cast %add3A_134 : i32 to index
        %swap3A_136 = tpu.vector_load %arg9[%swap3A_135] {strides = array<i32>} : memref<4176xf32, #tpu.memory_space<vmem>>, vector<16xf32>,
        tpu.vector_store %arg9[%swap3A_135], %broadcast_in_dim3A_62 {strides = array<i32>} : memref<4176xf32, #tpu.memory_space<vmem>>, vector<16xf32>,
      }
      %scan3A_67 = arith.constant 5 : i32
      %scan3A_68 = arith.constant 0 : i32
      %scan3A_69 = arith.constant 0 : i32
      %scan3A_70 = arith.constant 64 : i32
      %scan3A_71 = arith.addi %scan3A_69, %scan3A_70 : i32
      %scan3A_72 = arith.constant 1 : i32
      scf.for %scan3A_130 = %scan3A_69 to %scan3A_71 step %scan3A_72  : i32 {
        %mul3A_131 = arith.constant 128 : i32
        %mul3A_132 = arith.muli %scan3A_130, %mul3A_131 : i32
        %add3A_133 = arith.constant 0 : i32
        %add3A_134 = arith.addi %mul3A_132, %add3A_133 : i32
        %swap3A_135 = arith.index_cast %add3A_134 : i32 to index
        %swap3A_136 = tpu.vector_load %arg10[%swap3A_135] {strides = array<i32>} : memref<8208xf32, #tpu.memory_space<vmem>>, vector<16xf32>,
        tpu.vector_store %arg10[%swap3A_135], %broadcast_in_dim3A_60 {strides = array<i32>} : memref<8208xf32, #tpu.memory_space<vmem>>, vector<16xf32>,
        %swap3A_137 = arith.index_cast %add3A_134 : i32 to index
        %swap3A_138 = tpu.vector_load %arg11[%swap3A_137] {strides = array<i32>} : memref<8208xf32, #tpu.memory_space<vmem>>, vector<16xf32>,
        tpu.vector_store %arg11[%swap3A_137], %broadcast_in_dim3A_60 {strides = array<i32>} : memref<8208xf32, #tpu.memory_space<vmem>>, vector<16xf32>,
        %mul3A_139 = arith.constant 128 : i32
        %mul3A_140 = arith.muli %scan3A_130, %mul3A_139 : i32
        %add3A_141 = arith.constant 16 : i32
        %add3A_142 = arith.addi %mul3A_140, %add3A_141 : i32
        %swap3A_143 = arith.index_cast %add3A_142 : i32 to index
        %swap3A_144 = tpu.vector_load %arg10[%swap3A_143] {strides = array<i32>} : memref<8208xf32, #tpu.memory_space<vmem>>, vector<16xf32>,
        tpu.vector_store %arg10[%swap3A_143], %broadcast_in_dim3A_60 {strides = array<i32>} : memref<8208xf32, #tpu.memory_space<vmem>>, vector<16xf32>,
        %swap3A_145 = arith.index_cast %add3A_142 : i32 to index
        %swap3A_146 = tpu.vector_load %arg11[%swap3A_145] {strides = array<i32>} : memref<8208xf32, #tpu.memory_space<vmem>>, vector<16xf32>,
        tpu.vector_store %arg11[%swap3A_145], %broadcast_in_dim3A_60 {strides = array<i32>} : memref<8208xf32, #tpu.memory_space<vmem>>, vector<16xf32>,
        %mul3A_147 = arith.constant 128 : i32
        %mul3A_148 = arith.muli %scan3A_130, %mul3A_147 : i32
        %add3A_149 = arith.constant 32 : i32
        %add3A_150 = arith.addi %mul3A_148, %add3A_149 : i32
        %swap3A_151 = arith.index_cast %add3A_150 : i32 to index
        %swap3A_152 = tpu.vector_load %arg10[%swap3A_151] {strides = array<i32>} : memref<8208xf32, #tpu.memory_space<vmem>>, vector<16xf32>,
        tpu.vector_store %arg10[%swap3A_151], %broadcast_in_dim3A_60 {strides = array<i32>} : memref<8208xf32, #tpu.memory_space<vmem>>, vector<16xf32>,
        %swap3A_153 = arith.index_cast %add3A_150 : i32 to index
        %swap3A_154 = tpu.vector_load %arg11[%swap3A_153] {strides = array<i32>} : memref<8208xf32, #tpu.memory_space<vmem>>, vector<16xf32>,
        tpu.vector_store %arg11[%swap3A_153], %broadcast_in_dim3A_60 {strides = array<i32>} : memref<8208xf32, #tpu.memory_space<vmem>>, vector<16xf32>,
        %mul3A_155 = arith.constant 128 : i32
        %mul3A_156 = arith.muli %scan3A_130, %mul3A_155 : i32
        %add3A_157 = arith.constant 48 : i32
        %add3A_158 = arith.addi %mul3A_156, %add3A_157 : i32
        %swap3A_159 = arith.index_cast %add3A_158 : i32 to index
        %swap3A_160 = tpu.vector_load %arg10[%swap3A_159] {strides = array<i32>} : memref<8208xf32, #tpu.memory_space<vmem>>, vector<16xf32>,
        tpu.vector_store %arg10[%swap3A_159], %broadcast_in_dim3A_60 {strides = array<i32>} : memref<8208xf32, #tpu.memory_space<vmem>>, vector<16xf32>,
        %swap3A_161 = arith.index_cast %add3A_158 : i32 to index
        %swap3A_162 = tpu.vector_load %arg11[%swap3A_161] {strides = array<i32>} : memref<8208xf32, #tpu.memory_space<vmem>>, vector<16xf32>,
        tpu.vector_store %arg11[%swap3A_161], %broadcast_in_dim3A_60 {strides = array<i32>} : memref<8208xf32, #tpu.memory_space<vmem>>, vector<16xf32>,
        %mul3A_163 = arith.constant 128 : i32
        %mul3A_164 = arith.muli %scan3A_130, %mul3A_163 : i32
        %add3A_165 = arith.constant 64 : i32
        %add3A_166 = arith.addi %mul3A_164, %add3A_165 : i32
        %swap3A_167 = arith.index_cast %add3A_166 : i32 to index
        %swap3A_168 = tpu.vector_load %arg10[%swap3A_167] {strides = array<i32>} : memref<8208xf32, #tpu.memory_space<vmem>>, vector<16xf32>,
        tpu.vector_store %arg10[%swap3A_167], %broadcast_in_dim3A_60 {strides = array<i32>} : memref<8208xf32, #tpu.memory_space<vmem>>, vector<16xf32>,
        %swap3A_169 = arith.index_cast %add3A_166 : i32 to index
        %swap3A_170 = tpu.vector_load %arg11[%swap3A_169] {strides = array<i32>} : memref<8208xf32, #tpu.memory_space<vmem>>, vector<16xf32>,
        tpu.vector_store %arg11[%swap3A_169], %broadcast_in_dim3A_60 {strides = array<i32>} : memref<8208xf32, #tpu.memory_space<vmem>>, vector<16xf32>,
        %mul3A_171 = arith.constant 128 : i32
        %mul3A_172 = arith.muli %scan3A_130, %mul3A_171 : i32
        %add3A_173 = arith.constant 80 : i32
        %add3A_174 = arith.addi %mul3A_172, %add3A_173 : i32
        %swap3A_175 = arith.index_cast %add3A_174 : i32 to index
        %swap3A_176 = tpu.vector_load %arg10[%swap3A_175] {strides = array<i32>} : memref<8208xf32, #tpu.memory_space<vmem>>, vector<16xf32>,
        tpu.vector_store %arg10[%swap3A_175], %broadcast_in_dim3A_60 {strides = array<i32>} : memref<8208xf32, #tpu.memory_space<vmem>>, vector<16xf32>,
        %swap3A_177 = arith.index_cast %add3A_174 : i32 to index
        %swap3A_178 = tpu.vector_load %arg11[%swap3A_177] {strides = array<i32>} : memref<8208xf32, #tpu.memory_space<vmem>>, vector<16xf32>,
        tpu.vector_store %arg11[%swap3A_177], %broadcast_in_dim3A_60 {strides = array<i32>} : memref<8208xf32, #tpu.memory_space<vmem>>, vector<16xf32>,
        %mul3A_179 = arith.constant 128 : i32
        %mul3A_180 = arith.muli %scan3A_130, %mul3A_179 : i32
        %add3A_181 = arith.constant 96 : i32
        %add3A_182 = arith.addi %mul3A_180, %add3A_181 : i32
        %swap3A_183 = arith.index_cast %add3A_182 : i32 to index
        %swap3A_184 = tpu.vector_load %arg10[%swap3A_183] {strides = array<i32>} : memref<8208xf32, #tpu.memory_space<vmem>>, vector<16xf32>,
        tpu.vector_store %arg10[%swap3A_183], %broadcast_in_dim3A_60 {strides = array<i32>} : memref<8208xf32, #tpu.memory_space<vmem>>, vector<16xf32>,
        %swap3A_185 = arith.index_cast %add3A_182 : i32 to index
        %swap3A_186 = tpu.vector_load %arg11[%swap3A_185] {strides = array<i32>} : memref<8208xf32, #tpu.memory_space<vmem>>, vector<16xf32>,
        tpu.vector_store %arg11[%swap3A_185], %broadcast_in_dim3A_60 {strides = array<i32>} : memref<8208xf32, #tpu.memory_space<vmem>>, vector<16xf32>,
        %mul3A_187 = arith.constant 128 : i32
        %mul3A_188 = arith.muli %scan3A_130, %mul3A_187 : i32
        %add3A_189 = arith.constant 112 : i32
        %add3A_190 = arith.addi %mul3A_188, %add3A_189 : i32
        %swap3A_191 = arith.index_cast %add3A_190 : i32 to index
        %swap3A_192 = tpu.vector_load %arg10[%swap3A_191] {strides = array<i32>} : memref<8208xf32, #tpu.memory_space<vmem>>, vector<16xf32>,
        tpu.vector_store %arg10[%swap3A_191], %broadcast_in_dim3A_60 {strides = array<i32>} : memref<8208xf32, #tpu.memory_space<vmem>>, vector<16xf32>,
        %swap3A_193 = arith.index_cast %add3A_190 : i32 to index
        %swap3A_194 = tpu.vector_load %arg11[%swap3A_193] {strides = array<i32>} : memref<8208xf32, #tpu.memory_space<vmem>>, vector<16xf32>,
        tpu.vector_store %arg11[%swap3A_193], %broadcast_in_dim3A_60 {strides = array<i32>} : memref<8208xf32, #tpu.memory_space<vmem>>, vector<16xf32>,
      }
      %scan3A_73 = arith.constant 64 : i32
      %swap3A = arith.constant 8192 : index
      %swap3A_74 = tpu.vector_load %arg10[%swap3A] {strides = array<i32>} : memref<8208xf32, #tpu.memory_space<vmem>>, vector<16xf32>,
      tpu.vector_store %arg10[%swap3A], %broadcast_in_dim3A_60 {strides = array<i32>} : memref<8208xf32, #tpu.memory_space<vmem>>, vector<16xf32>,
      %swap3A_75 = arith.constant 8192 : index
      %swap3A_76 = tpu.vector_load %arg11[%swap3A_75] {strides = array<i32>} : memref<8208xf32, #tpu.memory_space<vmem>>, vector<16xf32>,
      tpu.vector_store %arg11[%swap3A_75], %broadcast_in_dim3A_60 {strides = array<i32>} : memref<8208xf32, #tpu.memory_space<vmem>>, vector<16xf32>,
      %iota3A = tpu.iota {dimensions = array<i32: 0>} : vector<16xi32>
      %add3A_77 = arith.constant 8192 : i32
      %add3A_78 = vector.broadcast %add3A_77 : i32 to vector<16xi32>
      %add3A_79 = arith.addi %iota3A, %add3A_78 : vector<16xi32>
      %scan3A_80 = arith.constant 0 : i32
      %scan3A_81 = arith.constant 128 : i32
      %scan3A_82 = arith.addi %scan3A_80, %scan3A_81 : i32
      %scan3A_83 = arith.constant 1 : i32
      %scan3A_84 = scf.for %scan3A_130 = %scan3A_80 to %scan3A_82 step %scan3A_83 iter_args(%scan3A_131 = %iota3A) -> (vector<16xi32>)  : i32 {
        %mul3A_132 = arith.constant 2 : i32
        %mul3A_133 = arith.muli %scan3A_130, %mul3A_132 : i32
        %mul3A_134 = arith.constant 16 : i32
        %mul3A_135 = arith.muli %mul3A_133, %mul3A_134 : i32
        %add3A_136 = vector.broadcast %mul3A_135 : i32 to vector<16xi32>
        %add3A_137 = arith.addi %add3A_136, %iota3A : vector<16xi32>
        %shift_right_arithmetic3A = arith.constant 6 : i32
        %shift_right_arithmetic3A_138 = vector.broadcast %shift_right_arithmetic3A : i32 to vector<16xi32>
        %shift_right_arithmetic3A_139 = arith.shrsi %add3A_137, %shift_right_arithmetic3A_138 : vector<16xi32>
        %convert_element_type3A_140 = arith.sitofp %shift_right_arithmetic3A_139 : vector<16xi32> to vector<16xf32>
        %and3A_141 = arith.constant 63 : i32
        %and3A_142 = vector.broadcast %and3A_141 : i32 to vector<16xi32>
        %and3A_143 = arith.andi %add3A_137, %and3A_142 : vector<16xi32>
        %convert_element_type3A_144 = arith.sitofp %and3A_143 : vector<16xi32> to vector<16xf32>
        %mul3A_145 = arith.constant 16 : i32
        %mul3A_146 = arith.muli %mul3A_133, %mul3A_145 : i32
        %get3A = arith.index_cast %mul3A_146 : i32 to index
        %get3A_147 = tpu.vector_load %arg9[%get3A] {strides = array<i32>} : memref<4176xf32, #tpu.memory_space<vmem>>, vector<16xf32>,
        %mul3A_148 = arith.constant 16 : i32
        %mul3A_149 = arith.muli %mul3A_133, %mul3A_148 : i32
        %add3A_150 = arith.constant 64 : i32
        %add3A_151 = arith.addi %mul3A_149, %add3A_150 : i32
        %get3A_152 = arith.index_cast %add3A_151 : i32 to index
        %get3A_153 = tpu.vector_load %arg9[%get3A_152] {strides = array<i32>} : memref<4176xf32, #tpu.memory_space<vmem>>, vector<16xf32>,
        %mul3A_154 = arith.constant 16 : i32
        %mul3A_155 = arith.muli %mul3A_133, %mul3A_154 : i32
        %add3A_156 = arith.constant 1 : i32
        %add3A_157 = arith.addi %mul3A_155, %add3A_156 : i32
        %get3A_158 = arith.index_cast %add3A_157 : i32 to index
        %get3A_159 = tpu.vector_load %arg9[%get3A_158] {strides = array<i32>} : memref<4176xf32, #tpu.memory_space<vmem>>, vector<16xf32>,
        %eq3A_160 = arith.constant 0.000000e+00 : f32
        %eq3A_161 = vector.broadcast %eq3A_160 : f32 to vector<16xf32>
        %eq3A_162 = arith.cmpf oeq, %get3A_147, %eq3A_161 : vector<16xf32>
        %eq3A_163 = arith.constant 0.000000e+00 : f32
        %eq3A_164 = vector.broadcast %eq3A_163 : f32 to vector<16xf32>
        %eq3A_165 = arith.cmpf oeq, %get3A_153, %eq3A_164 : vector<16xf32>
        %not3A = arith.constant dense<true> : vector<16xi1>
        %not3A_166 = arith.xori %eq3A_162, %not3A : vector<16xi1>
        %not3A_167 = arith.constant dense<true> : vector<16xi1>
        %not3A_168 = arith.xori %eq3A_165, %not3A_167 : vector<16xi1>
        %and3A_169 = arith.andi %not3A_166, %not3A_168 : vector<16xi1>
        %mul3A_170 = arith.mulf %get3A_147, %get3A_153 : vector<16xf32>
        %lt3A_171 = arith.constant 0.000000e+00 : f32
        %lt3A_172 = vector.broadcast %lt3A_171 : f32 to vector<16xf32>
        %lt3A_173 = arith.cmpf olt, %mul3A_170, %lt3A_172 : vector<16xf32>
        %and3A_174 = arith.andi %and3A_169, %lt3A_173 : vector<16xi1>
        %abs3A = math.absf %get3A_147 : vector<16xf32>
        %abs3A_175 = math.absf %get3A_147 : vector<16xf32>
        %abs3A_176 = math.absf %get3A_153 : vector<16xf32>
        %add3A_177 = arith.addf %abs3A_175, %abs3A_176 : vector<16xf32>
        %add3A_178 = arith.constant 9.99999993E-9 : f32
        %add3A_179 = vector.broadcast %add3A_178 : f32 to vector<16xf32>
        %add3A_180 = arith.addf %add3A_177, %add3A_179 : vector<16xf32>
        %div3A_181 = arith.divf %abs3A, %add3A_180 : vector<16xf32>
        %not3A_182 = arith.constant dense<true> : vector<16xi1>
        %not3A_183 = arith.xori %eq3A_162, %not3A_182 : vector<16xi1>
        %and3A_184 = arith.andi %not3A_183, %eq3A_165 : vector<16xi1>
        %add3A_185 = arith.constant 1.000000e+00 : f32
        %add3A_186 = vector.broadcast %add3A_185 : f32 to vector<16xf32>
        %add3A_187 = arith.addf %convert_element_type3A_140, %add3A_186 : vector<16xf32>
        %add3A_188 = arith.addf %convert_element_type3A_140, %div3A_181 : vector<16xf32>
        %select_n3A_189 = arith.select %and3A_184, %add3A_187, %add3A_188 : vector<16xi1>, vector<16xf32>
        %select_n3A_190 = arith.select %eq3A_162, %convert_element_type3A_140, %select_n3A_189 : vector<16xi1>, vector<16xf32>
        %or3A = arith.ori %eq3A_162, %eq3A_165 : vector<16xi1>
        %or3A_191 = arith.ori %or3A, %and3A_174 : vector<16xi1>
        %lt3A_192 = arith.constant 6.300000e+01 : f32
        %lt3A_193 = vector.broadcast %lt3A_192 : f32 to vector<16xf32>
        %lt3A_194 = arith.cmpf olt, %convert_element_type3A_140, %lt3A_193 : vector<16xf32>
        %and3A_195 = arith.andi %or3A_191, %lt3A_194 : vector<16xi1>
        %convert_element_type3A_196 = arith.extui %and3A_195 : vector<16xi1> to vector<16xi32>
        %mul3A_197 = arith.muli %scan3A_131, %convert_element_type3A_196 : vector<16xi32>
        %sub3A_198 = arith.constant 1 : i32
        %sub3A_199 = vector.broadcast %sub3A_198 : i32 to vector<16xi32>
        %sub3A_200 = arith.subi %sub3A_199, %convert_element_type3A_196 : vector<16xi32>
        %mul3A_201 = arith.muli %add3A_79, %sub3A_200 : vector<16xi32>
        %add3A_202 = arith.addi %mul3A_197, %mul3A_201 : vector<16xi32>
        tpu.vector_store_idx %arg10[%add3A_202], %select_n3A_190 : memref<8208xf32, #tpu.memory_space<vmem>>[vector<16xi32>], vector<16xf32>,
        tpu.vector_store_idx %arg11[%add3A_202], %convert_element_type3A_144 : memref<8208xf32, #tpu.memory_space<vmem>>[vector<16xi32>], vector<16xf32>,
        %mul3A_203 = arith.constant 16 : i32
        %mul3A_204 = vector.broadcast %mul3A_203 : i32 to vector<16xi32>
        %mul3A_205 = arith.muli %mul3A_204, %convert_element_type3A_196 : vector<16xi32>
        %add3A_206 = arith.addi %scan3A_131, %mul3A_205 : vector<16xi32>
        %eq3A_207 = arith.constant 0.000000e+00 : f32
        %eq3A_208 = vector.broadcast %eq3A_207 : f32 to vector<16xf32>
        %eq3A_209 = arith.cmpf oeq, %get3A_159, %eq3A_208 : vector<16xf32>
        %not3A_210 = arith.constant dense<true> : vector<16xi1>
        %not3A_211 = arith.xori %eq3A_162, %not3A_210 : vector<16xi1>
        %not3A_212 = arith.constant dense<true> : vector<16xi1>
        %not3A_213 = arith.xori %eq3A_209, %not3A_212 : vector<16xi1>
        %and3A_214 = arith.andi %not3A_211, %not3A_213 : vector<16xi1>
        %mul3A_215 = arith.mulf %get3A_147, %get3A_159 : vector<16xf32>
        %lt3A_216 = arith.constant 0.000000e+00 : f32
        %lt3A_217 = vector.broadcast %lt3A_216 : f32 to vector<16xf32>
        %lt3A_218 = arith.cmpf olt, %mul3A_215, %lt3A_217 : vector<16xf32>
        %and3A_219 = arith.andi %and3A_214, %lt3A_218 : vector<16xi1>
        %abs3A_220 = math.absf %get3A_147 : vector<16xf32>
        %abs3A_221 = math.absf %get3A_147 : vector<16xf32>
        %abs3A_222 = math.absf %get3A_159 : vector<16xf32>
        %add3A_223 = arith.addf %abs3A_221, %abs3A_222 : vector<16xf32>
        %add3A_224 = arith.constant 9.99999993E-9 : f32
        %add3A_225 = vector.broadcast %add3A_224 : f32 to vector<16xf32>
        %add3A_226 = arith.addf %add3A_223, %add3A_225 : vector<16xf32>
        %div3A_227 = arith.divf %abs3A_220, %add3A_226 : vector<16xf32>
        %not3A_228 = arith.constant dense<true> : vector<16xi1>
        %not3A_229 = arith.xori %eq3A_162, %not3A_228 : vector<16xi1>
        %and3A_230 = arith.andi %not3A_229, %eq3A_209 : vector<16xi1>
        %add3A_231 = arith.constant 1.000000e+00 : f32
        %add3A_232 = vector.broadcast %add3A_231 : f32 to vector<16xf32>
        %add3A_233 = arith.addf %convert_element_type3A_144, %add3A_232 : vector<16xf32>
        %add3A_234 = arith.addf %convert_element_type3A_144, %div3A_227 : vector<16xf32>
        %select_n3A_235 = arith.select %and3A_230, %add3A_233, %add3A_234 : vector<16xi1>, vector<16xf32>
        %select_n3A_236 = arith.select %eq3A_162, %convert_element_type3A_144, %select_n3A_235 : vector<16xi1>, vector<16xf32>
        %or3A_237 = arith.ori %eq3A_162, %eq3A_209 : vector<16xi1>
        %or3A_238 = arith.ori %or3A_237, %and3A_219 : vector<16xi1>
        %lt3A_239 = arith.constant 6.300000e+01 : f32
        %lt3A_240 = vector.broadcast %lt3A_239 : f32 to vector<16xf32>
        %lt3A_241 = arith.cmpf olt, %convert_element_type3A_144, %lt3A_240 : vector<16xf32>
        %and3A_242 = arith.andi %or3A_238, %lt3A_241 : vector<16xi1>
        %convert_element_type3A_243 = arith.extui %and3A_242 : vector<16xi1> to vector<16xi32>
        %mul3A_244 = arith.muli %add3A_206, %convert_element_type3A_243 : vector<16xi32>
        %sub3A_245 = arith.constant 1 : i32
        %sub3A_246 = vector.broadcast %sub3A_245 : i32 to vector<16xi32>
        %sub3A_247 = arith.subi %sub3A_246, %convert_element_type3A_243 : vector<16xi32>
        %mul3A_248 = arith.muli %add3A_79, %sub3A_247 : vector<16xi32>
        %add3A_249 = arith.addi %mul3A_244, %mul3A_248 : vector<16xi32>
        tpu.vector_store_idx %arg10[%add3A_249], %convert_element_type3A_140 : memref<8208xf32, #tpu.memory_space<vmem>>[vector<16xi32>], vector<16xf32>,
        tpu.vector_store_idx %arg11[%add3A_249], %select_n3A_236 : memref<8208xf32, #tpu.memory_space<vmem>>[vector<16xi32>], vector<16xf32>,
        %mul3A_250 = arith.constant 16 : i32
        %mul3A_251 = vector.broadcast %mul3A_250 : i32 to vector<16xi32>
        %mul3A_252 = arith.muli %mul3A_251, %convert_element_type3A_243 : vector<16xi32>
        %add3A_253 = arith.addi %add3A_206, %mul3A_252 : vector<16xi32>
        %mul3A_254 = arith.constant 2 : i32
        %mul3A_255 = arith.muli %scan3A_130, %mul3A_254 : i32
        %add3A_256 = arith.constant 1 : i32
        %add3A_257 = arith.addi %mul3A_255, %add3A_256 : i32
        %mul3A_258 = arith.constant 16 : i32
        %mul3A_259 = arith.muli %add3A_257, %mul3A_258 : i32
        %add3A_260 = vector.broadcast %mul3A_259 : i32 to vector<16xi32>
        %add3A_261 = arith.addi %add3A_260, %iota3A : vector<16xi32>
        %shift_right_arithmetic3A_262 = arith.constant 6 : i32
        %shift_right_arithmetic3A_263 = vector.broadcast %shift_right_arithmetic3A_262 : i32 to vector<16xi32>
        %shift_right_arithmetic3A_264 = arith.shrsi %add3A_261, %shift_right_arithmetic3A_263 : vector<16xi32>
        %convert_element_type3A_265 = arith.sitofp %shift_right_arithmetic3A_264 : vector<16xi32> to vector<16xf32>
        %and3A_266 = arith.constant 63 : i32
        %and3A_267 = vector.broadcast %and3A_266 : i32 to vector<16xi32>
        %and3A_268 = arith.andi %add3A_261, %and3A_267 : vector<16xi32>
        %convert_element_type3A_269 = arith.sitofp %and3A_268 : vector<16xi32> to vector<16xf32>
        %mul3A_270 = arith.constant 16 : i32
        %mul3A_271 = arith.muli %add3A_257, %mul3A_270 : i32
        %get3A_272 = arith.index_cast %mul3A_271 : i32 to index
        %get3A_273 = tpu.vector_load %arg9[%get3A_272] {strides = array<i32>} : memref<4176xf32, #tpu.memory_space<vmem>>, vector<16xf32>,
        %mul3A_274 = arith.constant 16 : i32
        %mul3A_275 = arith.muli %add3A_257, %mul3A_274 : i32
        %add3A_276 = arith.constant 64 : i32
        %add3A_277 = arith.addi %mul3A_275, %add3A_276 : i32
        %get3A_278 = arith.index_cast %add3A_277 : i32 to index
        %get3A_279 = tpu.vector_load %arg9[%get3A_278] {strides = array<i32>} : memref<4176xf32, #tpu.memory_space<vmem>>, vector<16xf32>,
        %mul3A_280 = arith.constant 16 : i32
        %mul3A_281 = arith.muli %add3A_257, %mul3A_280 : i32
        %add3A_282 = arith.constant 1 : i32
        %add3A_283 = arith.addi %mul3A_281, %add3A_282 : i32
        %get3A_284 = arith.index_cast %add3A_283 : i32 to index
        %get3A_285 = tpu.vector_load %arg9[%get3A_284] {strides = array<i32>} : memref<4176xf32, #tpu.memory_space<vmem>>, vector<16xf32>,
        %eq3A_286 = arith.constant 0.000000e+00 : f32
        %eq3A_287 = vector.broadcast %eq3A_286 : f32 to vector<16xf32>
        %eq3A_288 = arith.cmpf oeq, %get3A_273, %eq3A_287 : vector<16xf32>
        %eq3A_289 = arith.constant 0.000000e+00 : f32
        %eq3A_290 = vector.broadcast %eq3A_289 : f32 to vector<16xf32>
        %eq3A_291 = arith.cmpf oeq, %get3A_279, %eq3A_290 : vector<16xf32>
        %not3A_292 = arith.constant dense<true> : vector<16xi1>
        %not3A_293 = arith.xori %eq3A_288, %not3A_292 : vector<16xi1>
        %not3A_294 = arith.constant dense<true> : vector<16xi1>
        %not3A_295 = arith.xori %eq3A_291, %not3A_294 : vector<16xi1>
        %and3A_296 = arith.andi %not3A_293, %not3A_295 : vector<16xi1>
        %mul3A_297 = arith.mulf %get3A_273, %get3A_279 : vector<16xf32>
        %lt3A_298 = arith.constant 0.000000e+00 : f32
        %lt3A_299 = vector.broadcast %lt3A_298 : f32 to vector<16xf32>
        %lt3A_300 = arith.cmpf olt, %mul3A_297, %lt3A_299 : vector<16xf32>
        %and3A_301 = arith.andi %and3A_296, %lt3A_300 : vector<16xi1>
        %abs3A_302 = math.absf %get3A_273 : vector<16xf32>
        %abs3A_303 = math.absf %get3A_273 : vector<16xf32>
        %abs3A_304 = math.absf %get3A_279 : vector<16xf32>
        %add3A_305 = arith.addf %abs3A_303, %abs3A_304 : vector<16xf32>
        %add3A_306 = arith.constant 9.99999993E-9 : f32
        %add3A_307 = vector.broadcast %add3A_306 : f32 to vector<16xf32>
        %add3A_308 = arith.addf %add3A_305, %add3A_307 : vector<16xf32>
        %div3A_309 = arith.divf %abs3A_302, %add3A_308 : vector<16xf32>
        %not3A_310 = arith.constant dense<true> : vector<16xi1>
        %not3A_311 = arith.xori %eq3A_288, %not3A_310 : vector<16xi1>
        %and3A_312 = arith.andi %not3A_311, %eq3A_291 : vector<16xi1>
        %add3A_313 = arith.constant 1.000000e+00 : f32
        %add3A_314 = vector.broadcast %add3A_313 : f32 to vector<16xf32>
        %add3A_315 = arith.addf %convert_element_type3A_265, %add3A_314 : vector<16xf32>
        %add3A_316 = arith.addf %convert_element_type3A_265, %div3A_309 : vector<16xf32>
        %select_n3A_317 = arith.select %and3A_312, %add3A_315, %add3A_316 : vector<16xi1>, vector<16xf32>
        %select_n3A_318 = arith.select %eq3A_288, %convert_element_type3A_265, %select_n3A_317 : vector<16xi1>, vector<16xf32>
        %or3A_319 = arith.ori %eq3A_288, %eq3A_291 : vector<16xi1>
        %or3A_320 = arith.ori %or3A_319, %and3A_301 : vector<16xi1>
        %lt3A_321 = arith.constant 6.300000e+01 : f32
        %lt3A_322 = vector.broadcast %lt3A_321 : f32 to vector<16xf32>
        %lt3A_323 = arith.cmpf olt, %convert_element_type3A_265, %lt3A_322 : vector<16xf32>
        %and3A_324 = arith.andi %or3A_320, %lt3A_323 : vector<16xi1>
        %convert_element_type3A_325 = arith.extui %and3A_324 : vector<16xi1> to vector<16xi32>
        %mul3A_326 = arith.muli %add3A_253, %convert_element_type3A_325 : vector<16xi32>
        %sub3A_327 = arith.constant 1 : i32
        %sub3A_328 = vector.broadcast %sub3A_327 : i32 to vector<16xi32>
        %sub3A_329 = arith.subi %sub3A_328, %convert_element_type3A_325 : vector<16xi32>
        %mul3A_330 = arith.muli %add3A_79, %sub3A_329 : vector<16xi32>
        %add3A_331 = arith.addi %mul3A_326, %mul3A_330 : vector<16xi32>
        tpu.vector_store_idx %arg10[%add3A_331], %select_n3A_318 : memref<8208xf32, #tpu.memory_space<vmem>>[vector<16xi32>], vector<16xf32>,
        tpu.vector_store_idx %arg11[%add3A_331], %convert_element_type3A_269 : memref<8208xf32, #tpu.memory_space<vmem>>[vector<16xi32>], vector<16xf32>,
        %mul3A_332 = arith.constant 16 : i32
        %mul3A_333 = vector.broadcast %mul3A_332 : i32 to vector<16xi32>
        %mul3A_334 = arith.muli %mul3A_333, %convert_element_type3A_325 : vector<16xi32>
        %add3A_335 = arith.addi %add3A_253, %mul3A_334 : vector<16xi32>
        %eq3A_336 = arith.constant 0.000000e+00 : f32
        %eq3A_337 = vector.broadcast %eq3A_336 : f32 to vector<16xf32>
        %eq3A_338 = arith.cmpf oeq, %get3A_285, %eq3A_337 : vector<16xf32>
        %not3A_339 = arith.constant dense<true> : vector<16xi1>
        %not3A_340 = arith.xori %eq3A_288, %not3A_339 : vector<16xi1>
        %not3A_341 = arith.constant dense<true> : vector<16xi1>
        %not3A_342 = arith.xori %eq3A_338, %not3A_341 : vector<16xi1>
        %and3A_343 = arith.andi %not3A_340, %not3A_342 : vector<16xi1>
        %mul3A_344 = arith.mulf %get3A_273, %get3A_285 : vector<16xf32>
        %lt3A_345 = arith.constant 0.000000e+00 : f32
        %lt3A_346 = vector.broadcast %lt3A_345 : f32 to vector<16xf32>
        %lt3A_347 = arith.cmpf olt, %mul3A_344, %lt3A_346 : vector<16xf32>
        %and3A_348 = arith.andi %and3A_343, %lt3A_347 : vector<16xi1>
        %abs3A_349 = math.absf %get3A_273 : vector<16xf32>
        %abs3A_350 = math.absf %get3A_273 : vector<16xf32>
        %abs3A_351 = math.absf %get3A_285 : vector<16xf32>
        %add3A_352 = arith.addf %abs3A_350, %abs3A_351 : vector<16xf32>
        %add3A_353 = arith.constant 9.99999993E-9 : f32
        %add3A_354 = vector.broadcast %add3A_353 : f32 to vector<16xf32>
        %add3A_355 = arith.addf %add3A_352, %add3A_354 : vector<16xf32>
        %div3A_356 = arith.divf %abs3A_349, %add3A_355 : vector<16xf32>
        %not3A_357 = arith.constant dense<true> : vector<16xi1>
        %not3A_358 = arith.xori %eq3A_288, %not3A_357 : vector<16xi1>
        %and3A_359 = arith.andi %not3A_358, %eq3A_338 : vector<16xi1>
        %add3A_360 = arith.constant 1.000000e+00 : f32
        %add3A_361 = vector.broadcast %add3A_360 : f32 to vector<16xf32>
        %add3A_362 = arith.addf %convert_element_type3A_269, %add3A_361 : vector<16xf32>
        %add3A_363 = arith.addf %convert_element_type3A_269, %div3A_356 : vector<16xf32>
        %select_n3A_364 = arith.select %and3A_359, %add3A_362, %add3A_363 : vector<16xi1>, vector<16xf32>
        %select_n3A_365 = arith.select %eq3A_288, %convert_element_type3A_269, %select_n3A_364 : vector<16xi1>, vector<16xf32>
        %or3A_366 = arith.ori %eq3A_288, %eq3A_338 : vector<16xi1>
        %or3A_367 = arith.ori %or3A_366, %and3A_348 : vector<16xi1>
        %lt3A_368 = arith.constant 6.300000e+01 : f32
        %lt3A_369 = vector.broadcast %lt3A_368 : f32 to vector<16xf32>
        %lt3A_370 = arith.cmpf olt, %convert_element_type3A_269, %lt3A_369 : vector<16xf32>
        %and3A_371 = arith.andi %or3A_367, %lt3A_370 : vector<16xi1>
        %convert_element_type3A_372 = arith.extui %and3A_371 : vector<16xi1> to vector<16xi32>
        %mul3A_373 = arith.muli %add3A_335, %convert_element_type3A_372 : vector<16xi32>
        %sub3A_374 = arith.constant 1 : i32
        %sub3A_375 = vector.broadcast %sub3A_374 : i32 to vector<16xi32>
        %sub3A_376 = arith.subi %sub3A_375, %convert_element_type3A_372 : vector<16xi32>
        %mul3A_377 = arith.muli %add3A_79, %sub3A_376 : vector<16xi32>
        %add3A_378 = arith.addi %mul3A_373, %mul3A_377 : vector<16xi32>
        tpu.vector_store_idx %arg10[%add3A_378], %convert_element_type3A_265 : memref<8208xf32, #tpu.memory_space<vmem>>[vector<16xi32>], vector<16xf32>,
        tpu.vector_store_idx %arg11[%add3A_378], %select_n3A_365 : memref<8208xf32, #tpu.memory_space<vmem>>[vector<16xi32>], vector<16xf32>,
        %mul3A_379 = arith.constant 16 : i32
        %mul3A_380 = vector.broadcast %mul3A_379 : i32 to vector<16xi32>
        %mul3A_381 = arith.muli %mul3A_380, %convert_element_type3A_372 : vector<16xi32>
        %add3A_382 = arith.addi %add3A_335, %mul3A_381 : vector<16xi32>
        scf.yield %add3A_382 : vector<16xi32>
      }
      %scan3A_85 = arith.constant 128 : i32
      %swap3A_86 = arith.constant 0 : index
      %swap3A_87 = tpu.vector_load %arg12[%swap3A_86] {strides = array<i32>} : memref<16xi32, #tpu.memory_space<vmem>>, vector<16xi32>,
      tpu.vector_store %arg12[%swap3A_86], %scan3A_84 {strides = array<i32>} : memref<16xi32, #tpu.memory_space<vmem>>, vector<16xi32>,
      %jit3A_88 = arith.constant 2 : i32
      %eq3A_89 = arith.constant 0 : i32
      %eq3A_90 = arith.cmpi eq, %jit3A_88, %eq3A_89 : i32
      %jit3A_91 = arith.constant 1 : i32
      %select_n3A_92 = arith.select %eq3A_90, %jit3A_91, %jit3A_88 : i32
      %rem3A_93 = arith.remsi %add3A, %select_n3A_92 : i32
      %ne3A_94 = arith.constant 0 : i32
      %ne3A_95 = arith.cmpi ne, %rem3A_93, %ne3A_94 : i32
      %lt3A_96 = arith.constant 0 : i32
      %lt3A_97 = arith.cmpi slt, %rem3A_93, %lt3A_96 : i32
      %lt3A_98 = arith.constant 0 : i32
      %lt3A_99 = arith.cmpi slt, %select_n3A_92, %lt3A_98 : i32
      %ne3A_100 = arith.xori %lt3A_97, %lt3A_99 : i1
      %and3A_101 = arith.andi %ne3A_100, %ne3A_95 : i1
      %add3A_102 = arith.addi %rem3A_93, %select_n3A_92 : i32
      %select_n3A_103 = arith.select %and3A_101, %add3A_102, %rem3A_93 : i32
      %eq3A_104 = arith.constant 0 : i32
      %eq3A_105 = arith.cmpi eq, %select_n3A_103, %eq3A_104 : i32
      %convert_element_type3A_106 = arith.extui %eq3A_105 : i1 to i32
      %cond3A_107 = arith.constant 0 : i32
      %cond3A_108 = arith.cmpi ne, %convert_element_type3A_106, %cond3A_107 : i32
      scf.if %cond3A_108 {
        "tpu.region"() ({
          %run_scoped3A = tpu.sem_alloc : memref<!tpu.dma_semaphore, #tpu.memory_space<semaphore_mem>>
          %dma_start3A = arith.constant 0 : i32
          %dma_start3A_130 = tpu.memref_slice %arg10[%dma_start3A] : memref<8208xf32, #tpu.memory_space<vmem>> -> memref<8192xf32, #tpu.memory_space<vmem>>
          %dma_start3A_131 = arith.constant 0 : i32
          %dma_start3A_132 = tpu.memref_slice %arg4[%select_n3A, %dma_start3A_131] : memref<2x8192xf32, #tpu.memory_space<hbm>> -> memref<1x8192xf32, #tpu.memory_space<hbm>>
          %dma_start3A_133 = tpu.memref_squeeze %dma_start3A_132 : memref<1x8192xf32, #tpu.memory_space<hbm>> -> memref<8192xf32, #tpu.memory_space<hbm>>
          %dma_start3A_134 = arith.constant 0 : i32
          %dma_start3A_135 = tpu.memref_slice %arg4[%select_n3A, %dma_start3A_134] : memref<2x8192xf32, #tpu.memory_space<hbm>> -> memref<1x8192xf32, #tpu.memory_space<hbm>>
          %dma_start3A_136 = tpu.memref_squeeze %dma_start3A_135 : memref<1x8192xf32, #tpu.memory_space<hbm>> -> memref<8192xf32, #tpu.memory_space<hbm>>
          %dma_start3A_137 = arith.constant 0 : i32
          %dma_start3A_138 = tpu.memref_slice %arg10[%dma_start3A_137] : memref<8208xf32, #tpu.memory_space<vmem>> -> memref<8192xf32, #tpu.memory_space<vmem>>
          tpu.enqueue_dma source(%dma_start3A_138 : memref<8192xf32, #tpu.memory_space<vmem>>) target(%dma_start3A_136 : memref<8192xf32, #tpu.memory_space<hbm>>) target_semaphore(%run_scoped3A : memref<!tpu.dma_semaphore, #tpu.memory_space<semaphore_mem>>)
          %dma_wait3A = arith.constant 0 : i32
          %dma_wait3A_139 = tpu.memref_slice %arg10[%dma_wait3A] : memref<8208xf32, #tpu.memory_space<vmem>> -> memref<8192xf32, #tpu.memory_space<vmem>>
          %dma_wait3A_140 = arith.constant 0 : i32
          %dma_wait3A_141 = tpu.memref_slice %arg4[%select_n3A, %dma_wait3A_140] : memref<2x8192xf32, #tpu.memory_space<hbm>> -> memref<1x8192xf32, #tpu.memory_space<hbm>>
          %dma_wait3A_142 = tpu.memref_squeeze %dma_wait3A_141 : memref<1x8192xf32, #tpu.memory_space<hbm>> -> memref<8192xf32, #tpu.memory_space<hbm>>
          %dma_wait3A_143 = arith.constant 0 : i32
          %dma_wait3A_144 = tpu.memref_slice %arg4[%select_n3A, %dma_wait3A_143] : memref<2x8192xf32, #tpu.memory_space<hbm>> -> memref<1x8192xf32, #tpu.memory_space<hbm>>
          %dma_wait3A_145 = tpu.memref_squeeze %dma_wait3A_144 : memref<1x8192xf32, #tpu.memory_space<hbm>> -> memref<8192xf32, #tpu.memory_space<hbm>>
          %dma_wait3A_146 = arith.constant 0 : i32
          %dma_wait3A_147 = tpu.memref_slice %arg10[%dma_wait3A_146] : memref<8208xf32, #tpu.memory_space<vmem>> -> memref<8192xf32, #tpu.memory_space<vmem>>
          tpu.wait_dma2 semaphore(%run_scoped3A : memref<!tpu.dma_semaphore, #tpu.memory_space<semaphore_mem>>) src(%dma_wait3A_147 : memref<8192xf32, #tpu.memory_space<vmem>>) dst(%dma_wait3A_145 : memref<8192xf32, #tpu.memory_space<hbm>>)
          tpu.yield
        }) : () -> ()
        "tpu.region"() ({
          %run_scoped3A = tpu.sem_alloc : memref<!tpu.dma_semaphore, #tpu.memory_space<semaphore_mem>>
          %dma_start3A = arith.constant 0 : i32
          %dma_start3A_130 = tpu.memref_slice %arg11[%dma_start3A] : memref<8208xf32, #tpu.memory_space<vmem>> -> memref<8192xf32, #tpu.memory_space<vmem>>
          %dma_start3A_131 = arith.constant 0 : i32
          %dma_start3A_132 = tpu.memref_slice %arg5[%select_n3A, %dma_start3A_131] : memref<2x8192xf32, #tpu.memory_space<hbm>> -> memref<1x8192xf32, #tpu.memory_space<hbm>>
          %dma_start3A_133 = tpu.memref_squeeze %dma_start3A_132 : memref<1x8192xf32, #tpu.memory_space<hbm>> -> memref<8192xf32, #tpu.memory_space<hbm>>
          %dma_start3A_134 = arith.constant 0 : i32
          %dma_start3A_135 = tpu.memref_slice %arg5[%select_n3A, %dma_start3A_134] : memref<2x8192xf32, #tpu.memory_space<hbm>> -> memref<1x8192xf32, #tpu.memory_space<hbm>>
          %dma_start3A_136 = tpu.memref_squeeze %dma_start3A_135 : memref<1x8192xf32, #tpu.memory_space<hbm>> -> memref<8192xf32, #tpu.memory_space<hbm>>
          %dma_start3A_137 = arith.constant 0 : i32
          %dma_start3A_138 = tpu.memref_slice %arg11[%dma_start3A_137] : memref<8208xf32, #tpu.memory_space<vmem>> -> memref<8192xf32, #tpu.memory_space<vmem>>
          tpu.enqueue_dma source(%dma_start3A_138 : memref<8192xf32, #tpu.memory_space<vmem>>) target(%dma_start3A_136 : memref<8192xf32, #tpu.memory_space<hbm>>) target_semaphore(%run_scoped3A : memref<!tpu.dma_semaphore, #tpu.memory_space<semaphore_mem>>)
          %dma_wait3A = arith.constant 0 : i32
          %dma_wait3A_139 = tpu.memref_slice %arg11[%dma_wait3A] : memref<8208xf32, #tpu.memory_space<vmem>> -> memref<8192xf32, #tpu.memory_space<vmem>>
          %dma_wait3A_140 = arith.constant 0 : i32
          %dma_wait3A_141 = tpu.memref_slice %arg5[%select_n3A, %dma_wait3A_140] : memref<2x8192xf32, #tpu.memory_space<hbm>> -> memref<1x8192xf32, #tpu.memory_space<hbm>>
          %dma_wait3A_142 = tpu.memref_squeeze %dma_wait3A_141 : memref<1x8192xf32, #tpu.memory_space<hbm>> -> memref<8192xf32, #tpu.memory_space<hbm>>
          %dma_wait3A_143 = arith.constant 0 : i32
          %dma_wait3A_144 = tpu.memref_slice %arg5[%select_n3A, %dma_wait3A_143] : memref<2x8192xf32, #tpu.memory_space<hbm>> -> memref<1x8192xf32, #tpu.memory_space<hbm>>
          %dma_wait3A_145 = tpu.memref_squeeze %dma_wait3A_144 : memref<1x8192xf32, #tpu.memory_space<hbm>> -> memref<8192xf32, #tpu.memory_space<hbm>>
          %dma_wait3A_146 = arith.constant 0 : i32
          %dma_wait3A_147 = tpu.memref_slice %arg11[%dma_wait3A_146] : memref<8208xf32, #tpu.memory_space<vmem>> -> memref<8192xf32, #tpu.memory_space<vmem>>
          tpu.wait_dma2 semaphore(%run_scoped3A : memref<!tpu.dma_semaphore, #tpu.memory_space<semaphore_mem>>) src(%dma_wait3A_147 : memref<8192xf32, #tpu.memory_space<vmem>>) dst(%dma_wait3A_145 : memref<8192xf32, #tpu.memory_space<hbm>>)
          tpu.yield
        }) : () -> ()
      } else {
      }
      %jit3A_109 = arith.constant 2 : i32
      %eq3A_110 = arith.constant 0 : i32
      %eq3A_111 = arith.cmpi eq, %jit3A_109, %eq3A_110 : i32
      %jit3A_112 = arith.constant 1 : i32
      %select_n3A_113 = arith.select %eq3A_111, %jit3A_112, %jit3A_109 : i32
      %rem3A_114 = arith.remsi %add3A, %select_n3A_113 : i32
      %ne3A_115 = arith.constant 0 : i32
      %ne3A_116 = arith.cmpi ne, %rem3A_114, %ne3A_115 : i32
      %lt3A_117 = arith.constant 0 : i32
      %lt3A_118 = arith.cmpi slt, %rem3A_114, %lt3A_117 : i32
      %lt3A_119 = arith.constant 0 : i32
      %lt3A_120 = arith.cmpi slt, %select_n3A_113, %lt3A_119 : i32
      %ne3A_121 = arith.xori %lt3A_118, %lt3A_120 : i1
      %and3A_122 = arith.andi %ne3A_121, %ne3A_116 : i1
      %add3A_123 = arith.addi %rem3A_114, %select_n3A_113 : i32
      %select_n3A_124 = arith.select %and3A_122, %add3A_123, %rem3A_114 : i32
      %eq3A_125 = arith.constant 1 : i32
      %eq3A_126 = arith.cmpi eq, %select_n3A_124, %eq3A_125 : i32
      %convert_element_type3A_127 = arith.extui %eq3A_126 : i1 to i32
      %cond3A_128 = arith.constant 0 : i32
      %cond3A_129 = arith.cmpi ne, %convert_element_type3A_127, %cond3A_128 : i32
      scf.if %cond3A_129 {
        "tpu.region"() ({
          %run_scoped3A = tpu.sem_alloc : memref<!tpu.dma_semaphore, #tpu.memory_space<semaphore_mem>>
          %dma_start3A = arith.constant 0 : i32
          %dma_start3A_130 = tpu.memref_slice %arg10[%dma_start3A] : memref<8208xf32, #tpu.memory_space<vmem>> -> memref<8192xf32, #tpu.memory_space<vmem>>
          %dma_start3A_131 = arith.constant 0 : i32
          %dma_start3A_132 = tpu.memref_slice %arg6[%select_n3A, %dma_start3A_131] : memref<2x8192xf32, #tpu.memory_space<hbm>> -> memref<1x8192xf32, #tpu.memory_space<hbm>>
          %dma_start3A_133 = tpu.memref_squeeze %dma_start3A_132 : memref<1x8192xf32, #tpu.memory_space<hbm>> -> memref<8192xf32, #tpu.memory_space<hbm>>
          %dma_start3A_134 = arith.constant 0 : i32
          %dma_start3A_135 = tpu.memref_slice %arg6[%select_n3A, %dma_start3A_134] : memref<2x8192xf32, #tpu.memory_space<hbm>> -> memref<1x8192xf32, #tpu.memory_space<hbm>>
          %dma_start3A_136 = tpu.memref_squeeze %dma_start3A_135 : memref<1x8192xf32, #tpu.memory_space<hbm>> -> memref<8192xf32, #tpu.memory_space<hbm>>
          %dma_start3A_137 = arith.constant 0 : i32
          %dma_start3A_138 = tpu.memref_slice %arg10[%dma_start3A_137] : memref<8208xf32, #tpu.memory_space<vmem>> -> memref<8192xf32, #tpu.memory_space<vmem>>
          tpu.enqueue_dma source(%dma_start3A_138 : memref<8192xf32, #tpu.memory_space<vmem>>) target(%dma_start3A_136 : memref<8192xf32, #tpu.memory_space<hbm>>) target_semaphore(%run_scoped3A : memref<!tpu.dma_semaphore, #tpu.memory_space<semaphore_mem>>)
          %dma_wait3A = arith.constant 0 : i32
          %dma_wait3A_139 = tpu.memref_slice %arg10[%dma_wait3A] : memref<8208xf32, #tpu.memory_space<vmem>> -> memref<8192xf32, #tpu.memory_space<vmem>>
          %dma_wait3A_140 = arith.constant 0 : i32
          %dma_wait3A_141 = tpu.memref_slice %arg6[%select_n3A, %dma_wait3A_140] : memref<2x8192xf32, #tpu.memory_space<hbm>> -> memref<1x8192xf32, #tpu.memory_space<hbm>>
          %dma_wait3A_142 = tpu.memref_squeeze %dma_wait3A_141 : memref<1x8192xf32, #tpu.memory_space<hbm>> -> memref<8192xf32, #tpu.memory_space<hbm>>
          %dma_wait3A_143 = arith.constant 0 : i32
          %dma_wait3A_144 = tpu.memref_slice %arg6[%select_n3A, %dma_wait3A_143] : memref<2x8192xf32, #tpu.memory_space<hbm>> -> memref<1x8192xf32, #tpu.memory_space<hbm>>
          %dma_wait3A_145 = tpu.memref_squeeze %dma_wait3A_144 : memref<1x8192xf32, #tpu.memory_space<hbm>> -> memref<8192xf32, #tpu.memory_space<hbm>>
          %dma_wait3A_146 = arith.constant 0 : i32
          %dma_wait3A_147 = tpu.memref_slice %arg10[%dma_wait3A_146] : memref<8208xf32, #tpu.memory_space<vmem>> -> memref<8192xf32, #tpu.memory_space<vmem>>
          tpu.wait_dma2 semaphore(%run_scoped3A : memref<!tpu.dma_semaphore, #tpu.memory_space<semaphore_mem>>) src(%dma_wait3A_147 : memref<8192xf32, #tpu.memory_space<vmem>>) dst(%dma_wait3A_145 : memref<8192xf32, #tpu.memory_space<hbm>>)
          tpu.yield
        }) : () -> ()
        "tpu.region"() ({
          %run_scoped3A = tpu.sem_alloc : memref<!tpu.dma_semaphore, #tpu.memory_space<semaphore_mem>>
          %dma_start3A = arith.constant 0 : i32
          %dma_start3A_130 = tpu.memref_slice %arg11[%dma_start3A] : memref<8208xf32, #tpu.memory_space<vmem>> -> memref<8192xf32, #tpu.memory_space<vmem>>
          %dma_start3A_131 = arith.constant 0 : i32
          %dma_start3A_132 = tpu.memref_slice %arg7[%select_n3A, %dma_start3A_131] : memref<2x8192xf32, #tpu.memory_space<hbm>> -> memref<1x8192xf32, #tpu.memory_space<hbm>>
          %dma_start3A_133 = tpu.memref_squeeze %dma_start3A_132 : memref<1x8192xf32, #tpu.memory_space<hbm>> -> memref<8192xf32, #tpu.memory_space<hbm>>
          %dma_start3A_134 = arith.constant 0 : i32
          %dma_start3A_135 = tpu.memref_slice %arg7[%select_n3A, %dma_start3A_134] : memref<2x8192xf32, #tpu.memory_space<hbm>> -> memref<1x8192xf32, #tpu.memory_space<hbm>>
          %dma_start3A_136 = tpu.memref_squeeze %dma_start3A_135 : memref<1x8192xf32, #tpu.memory_space<hbm>> -> memref<8192xf32, #tpu.memory_space<hbm>>
          %dma_start3A_137 = arith.constant 0 : i32
          %dma_start3A_138 = tpu.memref_slice %arg11[%dma_start3A_137] : memref<8208xf32, #tpu.memory_space<vmem>> -> memref<8192xf32, #tpu.memory_space<vmem>>
          tpu.enqueue_dma source(%dma_start3A_138 : memref<8192xf32, #tpu.memory_space<vmem>>) target(%dma_start3A_136 : memref<8192xf32, #tpu.memory_space<hbm>>) target_semaphore(%run_scoped3A : memref<!tpu.dma_semaphore, #tpu.memory_space<semaphore_mem>>)
          %dma_wait3A = arith.constant 0 : i32
          %dma_wait3A_139 = tpu.memref_slice %arg11[%dma_wait3A] : memref<8208xf32, #tpu.memory_space<vmem>> -> memref<8192xf32, #tpu.memory_space<vmem>>
          %dma_wait3A_140 = arith.constant 0 : i32
          %dma_wait3A_141 = tpu.memref_slice %arg7[%select_n3A, %dma_wait3A_140] : memref<2x8192xf32, #tpu.memory_space<hbm>> -> memref<1x8192xf32, #tpu.memory_space<hbm>>
          %dma_wait3A_142 = tpu.memref_squeeze %dma_wait3A_141 : memref<1x8192xf32, #tpu.memory_space<hbm>> -> memref<8192xf32, #tpu.memory_space<hbm>>
          %dma_wait3A_143 = arith.constant 0 : i32
          %dma_wait3A_144 = tpu.memref_slice %arg7[%select_n3A, %dma_wait3A_143] : memref<2x8192xf32, #tpu.memory_space<hbm>> -> memref<1x8192xf32, #tpu.memory_space<hbm>>
          %dma_wait3A_145 = tpu.memref_squeeze %dma_wait3A_144 : memref<1x8192xf32, #tpu.memory_space<hbm>> -> memref<8192xf32, #tpu.memory_space<hbm>>
          %dma_wait3A_146 = arith.constant 0 : i32
          %dma_wait3A_147 = tpu.memref_slice %arg11[%dma_wait3A_146] : memref<8208xf32, #tpu.memory_space<vmem>> -> memref<8192xf32, #tpu.memory_space<vmem>>
          tpu.wait_dma2 semaphore(%run_scoped3A : memref<!tpu.dma_semaphore, #tpu.memory_space<semaphore_mem>>) src(%dma_wait3A_147 : memref<8192xf32, #tpu.memory_space<vmem>>) dst(%dma_wait3A_145 : memref<8192xf32, #tpu.memory_space<hbm>>)
          tpu.yield
        }) : () -> ()
      } else {
      }
      "tpu.region"() ({
        %run_scoped3A = tpu.sem_alloc : memref<!tpu.dma_semaphore, #tpu.memory_space<semaphore_mem>>
        %dma_start3A = arith.constant 0 : i32
        %dma_start3A_130 = tpu.memref_slice %arg8[%add3A, %dma_start3A] : memref<4x16xi32, #tpu.memory_space<hbm>> -> memref<1x16xi32, #tpu.memory_space<hbm>>
        %dma_start3A_131 = tpu.memref_squeeze %dma_start3A_130 : memref<1x16xi32, #tpu.memory_space<hbm>> -> memref<16xi32, #tpu.memory_space<hbm>>
        %dma_start3A_132 = arith.constant 0 : i32
        %dma_start3A_133 = tpu.memref_slice %arg8[%add3A, %dma_start3A_132] : memref<4x16xi32, #tpu.memory_space<hbm>> -> memref<1x16xi32, #tpu.memory_space<hbm>>
        %dma_start3A_134 = tpu.memref_squeeze %dma_start3A_133 : memref<1x16xi32, #tpu.memory_space<hbm>> -> memref<16xi32, #tpu.memory_space<hbm>>
        tpu.enqueue_dma source(%arg12 : memref<16xi32, #tpu.memory_space<vmem>>) target(%dma_start3A_134 : memref<16xi32, #tpu.memory_space<hbm>>) target_semaphore(%run_scoped3A : memref<!tpu.dma_semaphore, #tpu.memory_space<semaphore_mem>>)
        %dma_wait3A = arith.constant 0 : i32
        %dma_wait3A_135 = tpu.memref_slice %arg8[%add3A, %dma_wait3A] : memref<4x16xi32, #tpu.memory_space<hbm>> -> memref<1x16xi32, #tpu.memory_space<hbm>>
        %dma_wait3A_136 = tpu.memref_squeeze %dma_wait3A_135 : memref<1x16xi32, #tpu.memory_space<hbm>> -> memref<16xi32, #tpu.memory_space<hbm>>
        %dma_wait3A_137 = arith.constant 0 : i32
        %dma_wait3A_138 = tpu.memref_slice %arg8[%add3A, %dma_wait3A_137] : memref<4x16xi32, #tpu.memory_space<hbm>> -> memref<1x16xi32, #tpu.memory_space<hbm>>
        %dma_wait3A_139 = tpu.memref_squeeze %dma_wait3A_138 : memref<1x16xi32, #tpu.memory_space<hbm>> -> memref<16xi32, #tpu.memory_space<hbm>>
        tpu.wait_dma2 semaphore(%run_scoped3A : memref<!tpu.dma_semaphore, #tpu.memory_space<semaphore_mem>>) src(%arg12 : memref<16xi32, #tpu.memory_space<vmem>>) dst(%dma_wait3A_139 : memref<16xi32, #tpu.memory_space<hbm>>)
        tpu.yield
      }) : () -> ()
    } else {
    }
    return
  }
}

module attributes {stable_mosaic.version = 14 : i64} {
  func.func @_chamfer_kernel(%arg0: i32, %arg1: memref<64xi32, #tpu.memory_space<smem>>, %arg2: memref<1x8192x1xf32, #tpu.memory_space<vmem>>, %arg3: memref<1x8192x1xf32, #tpu.memory_space<vmem>>, %arg4: memref<1x1x8192xf32, #tpu.memory_space<vmem>>, %arg5: memref<1x1x8192xf32, #tpu.memory_space<vmem>>, %arg6: memref<1x64x64xf32, #tpu.memory_space<vmem>>, %arg7: memref<1x64x64xf32, #tpu.memory_space<vmem>>, %arg8: memref<1x8x128xf32, #tpu.memory_space<vmem>>, %arg9: memref<1x8192xf32, #tpu.memory_space<vmem>>, %arg10: memref<1xf32, #tpu.memory_space<smem>>) attributes {dimension_semantics = [#tpu.dimension_semantics<arbitrary>], iteration_bounds = array<i64: 2>, scalar_prefetch = 1 : i64, scratch_operands = 2 : i64, tpu.core_type = #tpu.core_type<tc>, window_params = [{transform_indices = @transform_0, window_bounds = array<i64: 1, 8192, 1>}, {transform_indices = @transform_1, window_bounds = array<i64: 1, 8192, 1>}, {transform_indices = @transform_2, window_bounds = array<i64: 1, 1, 8192>}, {transform_indices = @transform_3, window_bounds = array<i64: 1, 1, 8192>}, {transform_indices = @transform_4, window_bounds = array<i64: 1, 64, 64>}, {transform_indices = @transform_5, window_bounds = array<i64: 1, 64, 64>}, {pipeline_mode = #tpu.pipeline_mode<synchronous>, transform_indices = @transform_6, window_bounds = array<i64: 1, 8, 128>}]} {
    %mul3A = arith.constant 2 : i32
    %mul3A_0 = arith.muli %mul3A, %arg0 : i32
    %mul3A_1 = arith.constant 16 : i32
    %mul3A_2 = arith.muli %mul3A_0, %mul3A_1 : i32
    %get3A = arith.index_cast %mul3A_2 : i32 to index
    %get3A_3 = memref.load %arg1[%get3A] : memref<64xi32, #tpu.memory_space<smem>>
    %mul3A_4 = arith.constant 2 : i32
    %mul3A_5 = arith.muli %mul3A_4, %arg0 : i32
    %add3A = arith.constant 1 : i32
    %add3A_6 = arith.addi %mul3A_5, %add3A : i32
    %mul3A_7 = arith.constant 16 : i32
    %mul3A_8 = arith.muli %add3A_6, %mul3A_7 : i32
    %get3A_9 = arith.index_cast %mul3A_8 : i32 to index
    %get3A_10 = memref.load %arg1[%get3A_9] : memref<64xi32, #tpu.memory_space<smem>>
    %mul3A_11 = arith.constant 2 : i32
    %mul3A_12 = arith.muli %mul3A_11, %arg0 : i32
    %mul3A_13 = arith.constant 16 : i32
    %mul3A_14 = arith.muli %mul3A_12, %mul3A_13 : i32
    %add3A_15 = arith.constant 1 : i32
    %add3A_16 = arith.addi %mul3A_14, %add3A_15 : i32
    %get3A_17 = arith.index_cast %add3A_16 : i32 to index
    %get3A_18 = memref.load %arg1[%get3A_17] : memref<64xi32, #tpu.memory_space<smem>>
    %sub3A = arith.constant 1 : i32
    %sub3A_19 = arith.subi %get3A_18, %sub3A : i32
    %max3A = arith.maxsi %get3A_3, %sub3A_19 : i32
    %mul3A_20 = arith.constant 2 : i32
    %mul3A_21 = arith.muli %mul3A_20, %arg0 : i32
    %add3A_22 = arith.constant 1 : i32
    %add3A_23 = arith.addi %mul3A_21, %add3A_22 : i32
    %mul3A_24 = arith.constant 16 : i32
    %mul3A_25 = arith.muli %add3A_23, %mul3A_24 : i32
    %add3A_26 = arith.constant 1 : i32
    %add3A_27 = arith.addi %mul3A_25, %add3A_26 : i32
    %get3A_28 = arith.index_cast %add3A_27 : i32 to index
    %get3A_29 = memref.load %arg1[%get3A_28] : memref<64xi32, #tpu.memory_space<smem>>
    %sub3A_30 = arith.constant 1 : i32
    %sub3A_31 = arith.subi %get3A_29, %sub3A_30 : i32
    %max3A_32 = arith.maxsi %get3A_10, %sub3A_31 : i32
    %mul3A_33 = arith.constant 2 : i32
    %mul3A_34 = arith.muli %mul3A_33, %arg0 : i32
    %mul3A_35 = arith.constant 16 : i32
    %mul3A_36 = arith.muli %mul3A_34, %mul3A_35 : i32
    %add3A_37 = arith.constant 2 : i32
    %add3A_38 = arith.addi %mul3A_36, %add3A_37 : i32
    %get3A_39 = arith.index_cast %add3A_38 : i32 to index
    %get3A_40 = memref.load %arg1[%get3A_39] : memref<64xi32, #tpu.memory_space<smem>>
    %sub3A_41 = arith.constant 2 : i32
    %sub3A_42 = arith.subi %get3A_40, %sub3A_41 : i32
    %max3A_43 = arith.maxsi %max3A, %sub3A_42 : i32
    %mul3A_44 = arith.constant 2 : i32
    %mul3A_45 = arith.muli %mul3A_44, %arg0 : i32
    %add3A_46 = arith.constant 1 : i32
    %add3A_47 = arith.addi %mul3A_45, %add3A_46 : i32
    %mul3A_48 = arith.constant 16 : i32
    %mul3A_49 = arith.muli %add3A_47, %mul3A_48 : i32
    %add3A_50 = arith.constant 2 : i32
    %add3A_51 = arith.addi %mul3A_49, %add3A_50 : i32
    %get3A_52 = arith.index_cast %add3A_51 : i32 to index
    %get3A_53 = memref.load %arg1[%get3A_52] : memref<64xi32, #tpu.memory_space<smem>>
    %sub3A_54 = arith.constant 2 : i32
    %sub3A_55 = arith.subi %get3A_53, %sub3A_54 : i32
    %max3A_56 = arith.maxsi %max3A_32, %sub3A_55 : i32
    %mul3A_57 = arith.constant 2 : i32
    %mul3A_58 = arith.muli %mul3A_57, %arg0 : i32
    %mul3A_59 = arith.constant 16 : i32
    %mul3A_60 = arith.muli %mul3A_58, %mul3A_59 : i32
    %add3A_61 = arith.constant 3 : i32
    %add3A_62 = arith.addi %mul3A_60, %add3A_61 : i32
    %get3A_63 = arith.index_cast %add3A_62 : i32 to index
    %get3A_64 = memref.load %arg1[%get3A_63] : memref<64xi32, #tpu.memory_space<smem>>
    %sub3A_65 = arith.constant 3 : i32
    %sub3A_66 = arith.subi %get3A_64, %sub3A_65 : i32
    %max3A_67 = arith.maxsi %max3A_43, %sub3A_66 : i32
    %mul3A_68 = arith.constant 2 : i32
    %mul3A_69 = arith.muli %mul3A_68, %arg0 : i32
    %add3A_70 = arith.constant 1 : i32
    %add3A_71 = arith.addi %mul3A_69, %add3A_70 : i32
    %mul3A_72 = arith.constant 16 : i32
    %mul3A_73 = arith.muli %add3A_71, %mul3A_72 : i32
    %add3A_74 = arith.constant 3 : i32
    %add3A_75 = arith.addi %mul3A_73, %add3A_74 : i32
    %get3A_76 = arith.index_cast %add3A_75 : i32 to index
    %get3A_77 = memref.load %arg1[%get3A_76] : memref<64xi32, #tpu.memory_space<smem>>
    %sub3A_78 = arith.constant 3 : i32
    %sub3A_79 = arith.subi %get3A_77, %sub3A_78 : i32
    %max3A_80 = arith.maxsi %max3A_56, %sub3A_79 : i32
    %mul3A_81 = arith.constant 2 : i32
    %mul3A_82 = arith.muli %mul3A_81, %arg0 : i32
    %mul3A_83 = arith.constant 16 : i32
    %mul3A_84 = arith.muli %mul3A_82, %mul3A_83 : i32
    %add3A_85 = arith.constant 4 : i32
    %add3A_86 = arith.addi %mul3A_84, %add3A_85 : i32
    %get3A_87 = arith.index_cast %add3A_86 : i32 to index
    %get3A_88 = memref.load %arg1[%get3A_87] : memref<64xi32, #tpu.memory_space<smem>>
    %sub3A_89 = arith.constant 4 : i32
    %sub3A_90 = arith.subi %get3A_88, %sub3A_89 : i32
    %max3A_91 = arith.maxsi %max3A_67, %sub3A_90 : i32
    %mul3A_92 = arith.constant 2 : i32
    %mul3A_93 = arith.muli %mul3A_92, %arg0 : i32
    %add3A_94 = arith.constant 1 : i32
    %add3A_95 = arith.addi %mul3A_93, %add3A_94 : i32
    %mul3A_96 = arith.constant 16 : i32
    %mul3A_97 = arith.muli %add3A_95, %mul3A_96 : i32
    %add3A_98 = arith.constant 4 : i32
    %add3A_99 = arith.addi %mul3A_97, %add3A_98 : i32
    %get3A_100 = arith.index_cast %add3A_99 : i32 to index
    %get3A_101 = memref.load %arg1[%get3A_100] : memref<64xi32, #tpu.memory_space<smem>>
    %sub3A_102 = arith.constant 4 : i32
    %sub3A_103 = arith.subi %get3A_101, %sub3A_102 : i32
    %max3A_104 = arith.maxsi %max3A_80, %sub3A_103 : i32
    %mul3A_105 = arith.constant 2 : i32
    %mul3A_106 = arith.muli %mul3A_105, %arg0 : i32
    %mul3A_107 = arith.constant 16 : i32
    %mul3A_108 = arith.muli %mul3A_106, %mul3A_107 : i32
    %add3A_109 = arith.constant 5 : i32
    %add3A_110 = arith.addi %mul3A_108, %add3A_109 : i32
    %get3A_111 = arith.index_cast %add3A_110 : i32 to index
    %get3A_112 = memref.load %arg1[%get3A_111] : memref<64xi32, #tpu.memory_space<smem>>
    %sub3A_113 = arith.constant 5 : i32
    %sub3A_114 = arith.subi %get3A_112, %sub3A_113 : i32
    %max3A_115 = arith.maxsi %max3A_91, %sub3A_114 : i32
    %mul3A_116 = arith.constant 2 : i32
    %mul3A_117 = arith.muli %mul3A_116, %arg0 : i32
    %add3A_118 = arith.constant 1 : i32
    %add3A_119 = arith.addi %mul3A_117, %add3A_118 : i32
    %mul3A_120 = arith.constant 16 : i32
    %mul3A_121 = arith.muli %add3A_119, %mul3A_120 : i32
    %add3A_122 = arith.constant 5 : i32
    %add3A_123 = arith.addi %mul3A_121, %add3A_122 : i32
    %get3A_124 = arith.index_cast %add3A_123 : i32 to index
    %get3A_125 = memref.load %arg1[%get3A_124] : memref<64xi32, #tpu.memory_space<smem>>
    %sub3A_126 = arith.constant 5 : i32
    %sub3A_127 = arith.subi %get3A_125, %sub3A_126 : i32
    %max3A_128 = arith.maxsi %max3A_104, %sub3A_127 : i32
    %mul3A_129 = arith.constant 2 : i32
    %mul3A_130 = arith.muli %mul3A_129, %arg0 : i32
    %mul3A_131 = arith.constant 16 : i32
    %mul3A_132 = arith.muli %mul3A_130, %mul3A_131 : i32
    %add3A_133 = arith.constant 6 : i32
    %add3A_134 = arith.addi %mul3A_132, %add3A_133 : i32
    %get3A_135 = arith.index_cast %add3A_134 : i32 to index
    %get3A_136 = memref.load %arg1[%get3A_135] : memref<64xi32, #tpu.memory_space<smem>>
    %sub3A_137 = arith.constant 6 : i32
    %sub3A_138 = arith.subi %get3A_136, %sub3A_137 : i32
    %max3A_139 = arith.maxsi %max3A_115, %sub3A_138 : i32
    %mul3A_140 = arith.constant 2 : i32
    %mul3A_141 = arith.muli %mul3A_140, %arg0 : i32
    %add3A_142 = arith.constant 1 : i32
    %add3A_143 = arith.addi %mul3A_141, %add3A_142 : i32
    %mul3A_144 = arith.constant 16 : i32
    %mul3A_145 = arith.muli %add3A_143, %mul3A_144 : i32
    %add3A_146 = arith.constant 6 : i32
    %add3A_147 = arith.addi %mul3A_145, %add3A_146 : i32
    %get3A_148 = arith.index_cast %add3A_147 : i32 to index
    %get3A_149 = memref.load %arg1[%get3A_148] : memref<64xi32, #tpu.memory_space<smem>>
    %sub3A_150 = arith.constant 6 : i32
    %sub3A_151 = arith.subi %get3A_149, %sub3A_150 : i32
    %max3A_152 = arith.maxsi %max3A_128, %sub3A_151 : i32
    %mul3A_153 = arith.constant 2 : i32
    %mul3A_154 = arith.muli %mul3A_153, %arg0 : i32
    %mul3A_155 = arith.constant 16 : i32
    %mul3A_156 = arith.muli %mul3A_154, %mul3A_155 : i32
    %add3A_157 = arith.constant 7 : i32
    %add3A_158 = arith.addi %mul3A_156, %add3A_157 : i32
    %get3A_159 = arith.index_cast %add3A_158 : i32 to index
    %get3A_160 = memref.load %arg1[%get3A_159] : memref<64xi32, #tpu.memory_space<smem>>
    %sub3A_161 = arith.constant 7 : i32
    %sub3A_162 = arith.subi %get3A_160, %sub3A_161 : i32
    %max3A_163 = arith.maxsi %max3A_139, %sub3A_162 : i32
    %mul3A_164 = arith.constant 2 : i32
    %mul3A_165 = arith.muli %mul3A_164, %arg0 : i32
    %add3A_166 = arith.constant 1 : i32
    %add3A_167 = arith.addi %mul3A_165, %add3A_166 : i32
    %mul3A_168 = arith.constant 16 : i32
    %mul3A_169 = arith.muli %add3A_167, %mul3A_168 : i32
    %add3A_170 = arith.constant 7 : i32
    %add3A_171 = arith.addi %mul3A_169, %add3A_170 : i32
    %get3A_172 = arith.index_cast %add3A_171 : i32 to index
    %get3A_173 = memref.load %arg1[%get3A_172] : memref<64xi32, #tpu.memory_space<smem>>
    %sub3A_174 = arith.constant 7 : i32
    %sub3A_175 = arith.subi %get3A_173, %sub3A_174 : i32
    %max3A_176 = arith.maxsi %max3A_152, %sub3A_175 : i32
    %mul3A_177 = arith.constant 2 : i32
    %mul3A_178 = arith.muli %mul3A_177, %arg0 : i32
    %mul3A_179 = arith.constant 16 : i32
    %mul3A_180 = arith.muli %mul3A_178, %mul3A_179 : i32
    %add3A_181 = arith.constant 8 : i32
    %add3A_182 = arith.addi %mul3A_180, %add3A_181 : i32
    %get3A_183 = arith.index_cast %add3A_182 : i32 to index
    %get3A_184 = memref.load %arg1[%get3A_183] : memref<64xi32, #tpu.memory_space<smem>>
    %sub3A_185 = arith.constant 8 : i32
    %sub3A_186 = arith.subi %get3A_184, %sub3A_185 : i32
    %max3A_187 = arith.maxsi %max3A_163, %sub3A_186 : i32
    %mul3A_188 = arith.constant 2 : i32
    %mul3A_189 = arith.muli %mul3A_188, %arg0 : i32
    %add3A_190 = arith.constant 1 : i32
    %add3A_191 = arith.addi %mul3A_189, %add3A_190 : i32
    %mul3A_192 = arith.constant 16 : i32
    %mul3A_193 = arith.muli %add3A_191, %mul3A_192 : i32
    %add3A_194 = arith.constant 8 : i32
    %add3A_195 = arith.addi %mul3A_193, %add3A_194 : i32
    %get3A_196 = arith.index_cast %add3A_195 : i32 to index
    %get3A_197 = memref.load %arg1[%get3A_196] : memref<64xi32, #tpu.memory_space<smem>>
    %sub3A_198 = arith.constant 8 : i32
    %sub3A_199 = arith.subi %get3A_197, %sub3A_198 : i32
    %max3A_200 = arith.maxsi %max3A_176, %sub3A_199 : i32
    %mul3A_201 = arith.constant 2 : i32
    %mul3A_202 = arith.muli %mul3A_201, %arg0 : i32
    %mul3A_203 = arith.constant 16 : i32
    %mul3A_204 = arith.muli %mul3A_202, %mul3A_203 : i32
    %add3A_205 = arith.constant 9 : i32
    %add3A_206 = arith.addi %mul3A_204, %add3A_205 : i32
    %get3A_207 = arith.index_cast %add3A_206 : i32 to index
    %get3A_208 = memref.load %arg1[%get3A_207] : memref<64xi32, #tpu.memory_space<smem>>
    %sub3A_209 = arith.constant 9 : i32
    %sub3A_210 = arith.subi %get3A_208, %sub3A_209 : i32
    %max3A_211 = arith.maxsi %max3A_187, %sub3A_210 : i32
    %mul3A_212 = arith.constant 2 : i32
    %mul3A_213 = arith.muli %mul3A_212, %arg0 : i32
    %add3A_214 = arith.constant 1 : i32
    %add3A_215 = arith.addi %mul3A_213, %add3A_214 : i32
    %mul3A_216 = arith.constant 16 : i32
    %mul3A_217 = arith.muli %add3A_215, %mul3A_216 : i32
    %add3A_218 = arith.constant 9 : i32
    %add3A_219 = arith.addi %mul3A_217, %add3A_218 : i32
    %get3A_220 = arith.index_cast %add3A_219 : i32 to index
    %get3A_221 = memref.load %arg1[%get3A_220] : memref<64xi32, #tpu.memory_space<smem>>
    %sub3A_222 = arith.constant 9 : i32
    %sub3A_223 = arith.subi %get3A_221, %sub3A_222 : i32
    %max3A_224 = arith.maxsi %max3A_200, %sub3A_223 : i32
    %mul3A_225 = arith.constant 2 : i32
    %mul3A_226 = arith.muli %mul3A_225, %arg0 : i32
    %mul3A_227 = arith.constant 16 : i32
    %mul3A_228 = arith.muli %mul3A_226, %mul3A_227 : i32
    %add3A_229 = arith.constant 10 : i32
    %add3A_230 = arith.addi %mul3A_228, %add3A_229 : i32
    %get3A_231 = arith.index_cast %add3A_230 : i32 to index
    %get3A_232 = memref.load %arg1[%get3A_231] : memref<64xi32, #tpu.memory_space<smem>>
    %sub3A_233 = arith.constant 10 : i32
    %sub3A_234 = arith.subi %get3A_232, %sub3A_233 : i32
    %max3A_235 = arith.maxsi %max3A_211, %sub3A_234 : i32
    %mul3A_236 = arith.constant 2 : i32
    %mul3A_237 = arith.muli %mul3A_236, %arg0 : i32
    %add3A_238 = arith.constant 1 : i32
    %add3A_239 = arith.addi %mul3A_237, %add3A_238 : i32
    %mul3A_240 = arith.constant 16 : i32
    %mul3A_241 = arith.muli %add3A_239, %mul3A_240 : i32
    %add3A_242 = arith.constant 10 : i32
    %add3A_243 = arith.addi %mul3A_241, %add3A_242 : i32
    %get3A_244 = arith.index_cast %add3A_243 : i32 to index
    %get3A_245 = memref.load %arg1[%get3A_244] : memref<64xi32, #tpu.memory_space<smem>>
    %sub3A_246 = arith.constant 10 : i32
    %sub3A_247 = arith.subi %get3A_245, %sub3A_246 : i32
    %max3A_248 = arith.maxsi %max3A_224, %sub3A_247 : i32
    %mul3A_249 = arith.constant 2 : i32
    %mul3A_250 = arith.muli %mul3A_249, %arg0 : i32
    %mul3A_251 = arith.constant 16 : i32
    %mul3A_252 = arith.muli %mul3A_250, %mul3A_251 : i32
    %add3A_253 = arith.constant 11 : i32
    %add3A_254 = arith.addi %mul3A_252, %add3A_253 : i32
    %get3A_255 = arith.index_cast %add3A_254 : i32 to index
    %get3A_256 = memref.load %arg1[%get3A_255] : memref<64xi32, #tpu.memory_space<smem>>
    %sub3A_257 = arith.constant 11 : i32
    %sub3A_258 = arith.subi %get3A_256, %sub3A_257 : i32
    %max3A_259 = arith.maxsi %max3A_235, %sub3A_258 : i32
    %mul3A_260 = arith.constant 2 : i32
    %mul3A_261 = arith.muli %mul3A_260, %arg0 : i32
    %add3A_262 = arith.constant 1 : i32
    %add3A_263 = arith.addi %mul3A_261, %add3A_262 : i32
    %mul3A_264 = arith.constant 16 : i32
    %mul3A_265 = arith.muli %add3A_263, %mul3A_264 : i32
    %add3A_266 = arith.constant 11 : i32
    %add3A_267 = arith.addi %mul3A_265, %add3A_266 : i32
    %get3A_268 = arith.index_cast %add3A_267 : i32 to index
    %get3A_269 = memref.load %arg1[%get3A_268] : memref<64xi32, #tpu.memory_space<smem>>
    %sub3A_270 = arith.constant 11 : i32
    %sub3A_271 = arith.subi %get3A_269, %sub3A_270 : i32
    %max3A_272 = arith.maxsi %max3A_248, %sub3A_271 : i32
    %mul3A_273 = arith.constant 2 : i32
    %mul3A_274 = arith.muli %mul3A_273, %arg0 : i32
    %mul3A_275 = arith.constant 16 : i32
    %mul3A_276 = arith.muli %mul3A_274, %mul3A_275 : i32
    %add3A_277 = arith.constant 12 : i32
    %add3A_278 = arith.addi %mul3A_276, %add3A_277 : i32
    %get3A_279 = arith.index_cast %add3A_278 : i32 to index
    %get3A_280 = memref.load %arg1[%get3A_279] : memref<64xi32, #tpu.memory_space<smem>>
    %sub3A_281 = arith.constant 12 : i32
    %sub3A_282 = arith.subi %get3A_280, %sub3A_281 : i32
    %max3A_283 = arith.maxsi %max3A_259, %sub3A_282 : i32
    %mul3A_284 = arith.constant 2 : i32
    %mul3A_285 = arith.muli %mul3A_284, %arg0 : i32
    %add3A_286 = arith.constant 1 : i32
    %add3A_287 = arith.addi %mul3A_285, %add3A_286 : i32
    %mul3A_288 = arith.constant 16 : i32
    %mul3A_289 = arith.muli %add3A_287, %mul3A_288 : i32
    %add3A_290 = arith.constant 12 : i32
    %add3A_291 = arith.addi %mul3A_289, %add3A_290 : i32
    %get3A_292 = arith.index_cast %add3A_291 : i32 to index
    %get3A_293 = memref.load %arg1[%get3A_292] : memref<64xi32, #tpu.memory_space<smem>>
    %sub3A_294 = arith.constant 12 : i32
    %sub3A_295 = arith.subi %get3A_293, %sub3A_294 : i32
    %max3A_296 = arith.maxsi %max3A_272, %sub3A_295 : i32
    %mul3A_297 = arith.constant 2 : i32
    %mul3A_298 = arith.muli %mul3A_297, %arg0 : i32
    %mul3A_299 = arith.constant 16 : i32
    %mul3A_300 = arith.muli %mul3A_298, %mul3A_299 : i32
    %add3A_301 = arith.constant 13 : i32
    %add3A_302 = arith.addi %mul3A_300, %add3A_301 : i32
    %get3A_303 = arith.index_cast %add3A_302 : i32 to index
    %get3A_304 = memref.load %arg1[%get3A_303] : memref<64xi32, #tpu.memory_space<smem>>
    %sub3A_305 = arith.constant 13 : i32
    %sub3A_306 = arith.subi %get3A_304, %sub3A_305 : i32
    %max3A_307 = arith.maxsi %max3A_283, %sub3A_306 : i32
    %mul3A_308 = arith.constant 2 : i32
    %mul3A_309 = arith.muli %mul3A_308, %arg0 : i32
    %add3A_310 = arith.constant 1 : i32
    %add3A_311 = arith.addi %mul3A_309, %add3A_310 : i32
    %mul3A_312 = arith.constant 16 : i32
    %mul3A_313 = arith.muli %add3A_311, %mul3A_312 : i32
    %add3A_314 = arith.constant 13 : i32
    %add3A_315 = arith.addi %mul3A_313, %add3A_314 : i32
    %get3A_316 = arith.index_cast %add3A_315 : i32 to index
    %get3A_317 = memref.load %arg1[%get3A_316] : memref<64xi32, #tpu.memory_space<smem>>
    %sub3A_318 = arith.constant 13 : i32
    %sub3A_319 = arith.subi %get3A_317, %sub3A_318 : i32
    %max3A_320 = arith.maxsi %max3A_296, %sub3A_319 : i32
    %mul3A_321 = arith.constant 2 : i32
    %mul3A_322 = arith.muli %mul3A_321, %arg0 : i32
    %mul3A_323 = arith.constant 16 : i32
    %mul3A_324 = arith.muli %mul3A_322, %mul3A_323 : i32
    %add3A_325 = arith.constant 14 : i32
    %add3A_326 = arith.addi %mul3A_324, %add3A_325 : i32
    %get3A_327 = arith.index_cast %add3A_326 : i32 to index
    %get3A_328 = memref.load %arg1[%get3A_327] : memref<64xi32, #tpu.memory_space<smem>>
    %sub3A_329 = arith.constant 14 : i32
    %sub3A_330 = arith.subi %get3A_328, %sub3A_329 : i32
    %max3A_331 = arith.maxsi %max3A_307, %sub3A_330 : i32
    %mul3A_332 = arith.constant 2 : i32
    %mul3A_333 = arith.muli %mul3A_332, %arg0 : i32
    %add3A_334 = arith.constant 1 : i32
    %add3A_335 = arith.addi %mul3A_333, %add3A_334 : i32
    %mul3A_336 = arith.constant 16 : i32
    %mul3A_337 = arith.muli %add3A_335, %mul3A_336 : i32
    %add3A_338 = arith.constant 14 : i32
    %add3A_339 = arith.addi %mul3A_337, %add3A_338 : i32
    %get3A_340 = arith.index_cast %add3A_339 : i32 to index
    %get3A_341 = memref.load %arg1[%get3A_340] : memref<64xi32, #tpu.memory_space<smem>>
    %sub3A_342 = arith.constant 14 : i32
    %sub3A_343 = arith.subi %get3A_341, %sub3A_342 : i32
    %max3A_344 = arith.maxsi %max3A_320, %sub3A_343 : i32
    %mul3A_345 = arith.constant 2 : i32
    %mul3A_346 = arith.muli %mul3A_345, %arg0 : i32
    %mul3A_347 = arith.constant 16 : i32
    %mul3A_348 = arith.muli %mul3A_346, %mul3A_347 : i32
    %add3A_349 = arith.constant 15 : i32
    %add3A_350 = arith.addi %mul3A_348, %add3A_349 : i32
    %get3A_351 = arith.index_cast %add3A_350 : i32 to index
    %get3A_352 = memref.load %arg1[%get3A_351] : memref<64xi32, #tpu.memory_space<smem>>
    %sub3A_353 = arith.constant 15 : i32
    %sub3A_354 = arith.subi %get3A_352, %sub3A_353 : i32
    %max3A_355 = arith.maxsi %max3A_331, %sub3A_354 : i32
    %mul3A_356 = arith.constant 2 : i32
    %mul3A_357 = arith.muli %mul3A_356, %arg0 : i32
    %add3A_358 = arith.constant 1 : i32
    %add3A_359 = arith.addi %mul3A_357, %add3A_358 : i32
    %mul3A_360 = arith.constant 16 : i32
    %mul3A_361 = arith.muli %add3A_359, %mul3A_360 : i32
    %add3A_362 = arith.constant 15 : i32
    %add3A_363 = arith.addi %mul3A_361, %add3A_362 : i32
    %get3A_364 = arith.index_cast %add3A_363 : i32 to index
    %get3A_365 = memref.load %arg1[%get3A_364] : memref<64xi32, #tpu.memory_space<smem>>
    %sub3A_366 = arith.constant 15 : i32
    %sub3A_367 = arith.subi %get3A_365, %sub3A_366 : i32
    %max3A_368 = arith.maxsi %max3A_344, %sub3A_367 : i32
    %eq3A = arith.constant 0 : i32
    %eq3A_369 = arith.cmpi eq, %arg0, %eq3A : i32
    %convert_element_type3A = arith.extui %eq3A_369 : i1 to i32
    %cond3A = arith.constant 0 : i32
    %cond3A_370 = arith.cmpi ne, %convert_element_type3A, %cond3A : i32
    scf.if %cond3A_370 {
      %swap3A_507 = arith.constant 0.000000e+00 : f32
      %swap3A_508 = arith.constant 0 : index
      %swap3A_509 = memref.load %arg10[%swap3A_508] : memref<1xf32, #tpu.memory_space<smem>>
      memref.store %swap3A_507, %arg10[%swap3A_508] : memref<1xf32, #tpu.memory_space<smem>>
    } else {
    }
    %broadcast_in_dim3A = arith.constant 0x7F800000 : f32
    %broadcast_in_dim3A_371 = vector.broadcast %broadcast_in_dim3A : f32 to vector<1x8192xf32>
    %swap3A = arith.constant 0 : index
    %swap3A_372 = arith.constant 0 : index
    %swap3A_373 = vector.load %arg9[%swap3A, %swap3A_372] : memref<1x8192xf32, #tpu.memory_space<vmem>>, vector<1x8192xf32>
    tpu.vector_store %arg9[%swap3A, %swap3A_372], %broadcast_in_dim3A_371 {strides = array<i32>} : memref<1x8192xf32, #tpu.memory_space<vmem>>, vector<1x8192xf32>,
    %get3A_374 = arith.constant 0 : index
    %get3A_375 = arith.constant 0 : index
    %get3A_376 = arith.constant 0 : index
    %get3A_377 = vector.load %arg6[%get3A_374, %get3A_375, %get3A_376] : memref<1x64x64xf32, #tpu.memory_space<vmem>>, vector<1x64x64xf32>
    %get3A_378 = vector.shape_cast %get3A_377 : vector<1x64x64xf32> to vector<64x64xf32>
    %get3A_379 = arith.constant 0 : index
    %get3A_380 = arith.constant 0 : index
    %get3A_381 = arith.constant 0 : index
    %get3A_382 = vector.load %arg7[%get3A_379, %get3A_380, %get3A_381] : memref<1x64x64xf32, #tpu.memory_space<vmem>>, vector<1x64x64xf32>
    %get3A_383 = vector.shape_cast %get3A_382 : vector<1x64x64xf32> to vector<64x64xf32>
    %sub3A_384 = arith.subf %get3A_378, %get3A_383 : vector<64x64xf32>
    %abs3A = math.absf %sub3A_384 : vector<64x64xf32>
    %reduce_sum3A = vector.shape_cast %abs3A : vector<64x64xf32> to vector<1x64x64xf32>
    %reduce_sum3A_385 = arith.constant dense<0.000000e+00> : vector<1xf32>
    %reduce_sum3A_386 = vector.multi_reduction <add>, %reduce_sum3A, %reduce_sum3A_385 [1, 2] : vector<1x64x64xf32> to vector<1xf32>
    %reduce_sum3A_387 = vector.shape_cast %reduce_sum3A_386 : vector<1xf32> to vector<1x1x1xf32>
    %reduce_sum3A_388 = vector.extract %reduce_sum3A_387[0, 0, 0] : f32 from vector<1x1x1xf32>
    %add3A_389 = arith.constant 1024 : i32
    %add3A_390 = arith.addi %max3A_368, %add3A_389 : i32
    %sub3A_391 = arith.constant 1 : i32
    %sub3A_392 = arith.subi %add3A_390, %sub3A_391 : i32
    %jit3A = arith.constant 1024 : i32
    %div3A = arith.divsi %sub3A_392, %jit3A : i32
    %sign3A = arith.constant 0 : i32
    %sign3A_393 = arith.cmpi sgt, %sub3A_392, %sign3A : i32
    %sign3A_394 = arith.extui %sign3A_393 : i1 to i32
    %sign3A_395 = arith.constant 0 : i32
    %sign3A_396 = arith.cmpi slt, %sub3A_392, %sign3A_395 : i32
    %sign3A_397 = arith.extui %sign3A_396 : i1 to i32
    %sign3A_398 = arith.subi %sign3A_394, %sign3A_397 : i32
    %sign3A_399 = arith.constant 0 : i32
    %sign3A_400 = arith.cmpi sgt, %jit3A, %sign3A_399 : i32
    %sign3A_401 = arith.extui %sign3A_400 : i1 to i32
    %sign3A_402 = arith.constant 0 : i32
    %sign3A_403 = arith.cmpi slt, %jit3A, %sign3A_402 : i32
    %sign3A_404 = arith.extui %sign3A_403 : i1 to i32
    %sign3A_405 = arith.subi %sign3A_401, %sign3A_404 : i32
    %ne3A = arith.cmpi ne, %sign3A_398, %sign3A_405 : i32
    %rem3A = arith.remsi %sub3A_392, %jit3A : i32
    %ne3A_406 = arith.constant 0 : i32
    %ne3A_407 = arith.cmpi ne, %rem3A, %ne3A_406 : i32
    %and3A = arith.andi %ne3A, %ne3A_407 : i1
    %sub3A_408 = arith.constant 1 : i32
    %sub3A_409 = arith.subi %div3A, %sub3A_408 : i32
    %select_n3A = arith.select %and3A, %sub3A_409, %div3A : i32
    %add3A_410 = arith.constant 512 : i32
    %add3A_411 = arith.addi %max3A_355, %add3A_410 : i32
    %sub3A_412 = arith.constant 1 : i32
    %sub3A_413 = arith.subi %add3A_411, %sub3A_412 : i32
    %jit3A_414 = arith.constant 512 : i32
    %div3A_415 = arith.divsi %sub3A_413, %jit3A_414 : i32
    %sign3A_416 = arith.constant 0 : i32
    %sign3A_417 = arith.cmpi sgt, %sub3A_413, %sign3A_416 : i32
    %sign3A_418 = arith.extui %sign3A_417 : i1 to i32
    %sign3A_419 = arith.constant 0 : i32
    %sign3A_420 = arith.cmpi slt, %sub3A_413, %sign3A_419 : i32
    %sign3A_421 = arith.extui %sign3A_420 : i1 to i32
    %sign3A_422 = arith.subi %sign3A_418, %sign3A_421 : i32
    %sign3A_423 = arith.constant 0 : i32
    %sign3A_424 = arith.cmpi sgt, %jit3A_414, %sign3A_423 : i32
    %sign3A_425 = arith.extui %sign3A_424 : i1 to i32
    %sign3A_426 = arith.constant 0 : i32
    %sign3A_427 = arith.cmpi slt, %jit3A_414, %sign3A_426 : i32
    %sign3A_428 = arith.extui %sign3A_427 : i1 to i32
    %sign3A_429 = arith.subi %sign3A_425, %sign3A_428 : i32
    %ne3A_430 = arith.cmpi ne, %sign3A_422, %sign3A_429 : i32
    %rem3A_431 = arith.remsi %sub3A_413, %jit3A_414 : i32
    %ne3A_432 = arith.constant 0 : i32
    %ne3A_433 = arith.cmpi ne, %rem3A_431, %ne3A_432 : i32
    %and3A_434 = arith.andi %ne3A_430, %ne3A_433 : i1
    %sub3A_435 = arith.constant 1 : i32
    %sub3A_436 = arith.subi %div3A_415, %sub3A_435 : i32
    %select_n3A_437 = arith.select %and3A_434, %sub3A_436, %div3A_415 : i32
    %while3A = arith.constant 0 : i32
    %while3A_438 = arith.constant 0.000000e+00 : f32
    %while3A_439 = arith.constant 0.000000e+00 : f32
    %while3A_440 = arith.subi %select_n3A_437, %while3A : i32
    %while3A_441 = arith.addi %while3A, %while3A_440 : i32
    %while3A_442 = arith.constant 1 : i32
    %while3A_443 = arith.divsi %while3A_440, %while3A_442 : i32
    %while3A_444 = arith.muli %while3A_443, %while3A_442 : i32
    %while3A_445 = arith.addi %while3A, %while3A_444 : i32
    %while3A_446 = arith.constant 1 : i32
    %while3A_447:2 = scf.for %while3A_507 = %while3A to %while3A_445 step %while3A_446 iter_args(%while3A_508 = %while3A_438, %while3A_509 = %while3A_439) -> (f32, f32)  : i32 {
      %mul3A_510 = arith.constant 512 : i32
      %mul3A_511 = arith.muli %while3A_507, %mul3A_510 : i32
      %get3A_512 = arith.constant 0 : index
      %get3A_513 = arith.index_cast %mul3A_511 : i32 to index
      %get3A_514 = arith.constant 0 : index
      %get3A_515 = vector.load %arg2[%get3A_512, %get3A_513, %get3A_514] : memref<1x8192x1xf32, #tpu.memory_space<vmem>>, vector<1x512x1xf32>
      %get3A_516 = vector.shape_cast %get3A_515 : vector<1x512x1xf32> to vector<512x1xf32>
      %get3A_517 = arith.constant 0 : index
      %get3A_518 = arith.index_cast %mul3A_511 : i32 to index
      %get3A_519 = arith.constant 0 : index
      %get3A_520 = vector.load %arg3[%get3A_517, %get3A_518, %get3A_519] : memref<1x8192x1xf32, #tpu.memory_space<vmem>>, vector<1x512x1xf32>
      %get3A_521 = vector.shape_cast %get3A_520 : vector<1x512x1xf32> to vector<512x1xf32>
      %broadcast_in_dim3A_522 = arith.constant 0x7F800000 : f32
      %broadcast_in_dim3A_523 = vector.broadcast %broadcast_in_dim3A_522 : f32 to vector<512x1xf32>
      %jit3A_524 = arith.constant 2 : i32
      %div3A_525 = arith.divsi %select_n3A, %jit3A_524 : i32
      %sign3A_526 = arith.constant 0 : i32
      %sign3A_527 = arith.cmpi sgt, %select_n3A, %sign3A_526 : i32
      %sign3A_528 = arith.extui %sign3A_527 : i1 to i32
      %sign3A_529 = arith.constant 0 : i32
      %sign3A_530 = arith.cmpi slt, %select_n3A, %sign3A_529 : i32
      %sign3A_531 = arith.extui %sign3A_530 : i1 to i32
      %sign3A_532 = arith.subi %sign3A_528, %sign3A_531 : i32
      %sign3A_533 = arith.constant 0 : i32
      %sign3A_534 = arith.cmpi sgt, %jit3A_524, %sign3A_533 : i32
      %sign3A_535 = arith.extui %sign3A_534 : i1 to i32
      %sign3A_536 = arith.constant 0 : i32
      %sign3A_537 = arith.cmpi slt, %jit3A_524, %sign3A_536 : i32
      %sign3A_538 = arith.extui %sign3A_537 : i1 to i32
      %sign3A_539 = arith.subi %sign3A_535, %sign3A_538 : i32
      %ne3A_540 = arith.cmpi ne, %sign3A_532, %sign3A_539 : i32
      %rem3A_541 = arith.remsi %select_n3A, %jit3A_524 : i32
      %ne3A_542 = arith.constant 0 : i32
      %ne3A_543 = arith.cmpi ne, %rem3A_541, %ne3A_542 : i32
      %and3A_544 = arith.andi %ne3A_540, %ne3A_543 : i1
      %sub3A_545 = arith.constant 1 : i32
      %sub3A_546 = arith.subi %div3A_525, %sub3A_545 : i32
      %select_n3A_547 = arith.select %and3A_544, %sub3A_546, %div3A_525 : i32
      %while3A_548 = arith.constant 0 : i32
      %while3A_549 = arith.subi %select_n3A_547, %while3A_548 : i32
      %while3A_550 = arith.addi %while3A_548, %while3A_549 : i32
      %while3A_551 = arith.constant 1 : i32
      %while3A_552 = arith.divsi %while3A_549, %while3A_551 : i32
      %while3A_553 = arith.muli %while3A_552, %while3A_551 : i32
      %while3A_554 = arith.addi %while3A_548, %while3A_553 : i32
      %while3A_555 = arith.constant 1 : i32
      %while3A_556:2 = scf.for %while3A_602 = %while3A_548 to %while3A_554 step %while3A_555 iter_args(%while3A_603 = %broadcast_in_dim3A_523, %while3A_604 = %broadcast_in_dim3A_523) -> (vector<512x1xf32>, vector<512x1xf32>)  : i32 {
        %mul3A_605 = arith.constant 2 : i32
        %mul3A_606 = arith.muli %mul3A_605, %while3A_602 : i32
        %mul3A_607 = arith.constant 1024 : i32
        %mul3A_608 = arith.muli %mul3A_606, %mul3A_607 : i32
        %get3A_609 = arith.constant 0 : index
        %get3A_610 = arith.constant 0 : index
        %get3A_611 = arith.index_cast %mul3A_608 : i32 to index
        %get3A_612 = vector.load %arg4[%get3A_609, %get3A_610, %get3A_611] : memref<1x1x8192xf32, #tpu.memory_space<vmem>>, vector<1x1x1024xf32>
        %get3A_613 = vector.shape_cast %get3A_612 : vector<1x1x1024xf32> to vector<1x1024xf32>
        %get3A_614 = arith.constant 0 : index
        %get3A_615 = arith.constant 0 : index
        %get3A_616 = arith.index_cast %mul3A_608 : i32 to index
        %get3A_617 = vector.load %arg5[%get3A_614, %get3A_615, %get3A_616] : memref<1x1x8192xf32, #tpu.memory_space<vmem>>, vector<1x1x1024xf32>
        %get3A_618 = vector.shape_cast %get3A_617 : vector<1x1x1024xf32> to vector<1x1024xf32>
        %sub3A_619 = vector.broadcast %get3A_516 : vector<512x1xf32> to vector<512x1024xf32>
        %sub3A_620 = vector.broadcast %get3A_613 : vector<1x1024xf32> to vector<512x1024xf32>
        %sub3A_621 = arith.subf %sub3A_619, %sub3A_620 : vector<512x1024xf32>
        %sub3A_622 = vector.broadcast %get3A_521 : vector<512x1xf32> to vector<512x1024xf32>
        %sub3A_623 = vector.broadcast %get3A_618 : vector<1x1024xf32> to vector<512x1024xf32>
        %sub3A_624 = arith.subf %sub3A_622, %sub3A_623 : vector<512x1024xf32>
        %mul3A_625 = arith.mulf %sub3A_621, %sub3A_621 : vector<512x1024xf32>
        %mul3A_626 = arith.mulf %sub3A_624, %sub3A_624 : vector<512x1024xf32>
        %add3A_627 = arith.addf %mul3A_625, %mul3A_626 : vector<512x1024xf32>
        %reduce_min3A = arith.constant dense<0x7F800000> : vector<512xf32>
        %reduce_min3A_628 = vector.multi_reduction <minimumf>, %add3A_627, %reduce_min3A [1] : vector<512x1024xf32> to vector<512xf32>
        %broadcast_in_dim3A_629 = vector.shape_cast %reduce_min3A_628 : vector<512xf32> to vector<512x1xf32>
        %reduce_min3A_630 = arith.constant dense<0x7F800000> : vector<1024xf32>
        %reduce_min3A_631 = vector.multi_reduction <minimumf>, %add3A_627, %reduce_min3A_630 [0] : vector<512x1024xf32> to vector<1024xf32>
        %broadcast_in_dim3A_632 = vector.shape_cast %reduce_min3A_631 : vector<1024xf32> to vector<1x1024xf32>
        %get3A_633 = arith.constant 0 : index
        %get3A_634 = arith.index_cast %mul3A_608 : i32 to index
        %get3A_635 = vector.load %arg9[%get3A_633, %get3A_634] : memref<1x8192xf32, #tpu.memory_space<vmem>>, vector<1x1024xf32>
        %min3A_636 = arith.minimumf %get3A_635, %broadcast_in_dim3A_632 : vector<1x1024xf32>
        %swap3A_637 = arith.constant 0 : index
        %swap3A_638 = arith.index_cast %mul3A_608 : i32 to index
        %swap3A_639 = vector.load %arg9[%swap3A_637, %swap3A_638] : memref<1x8192xf32, #tpu.memory_space<vmem>>, vector<1x1024xf32>
        tpu.vector_store %arg9[%swap3A_637, %swap3A_638], %min3A_636 {strides = array<i32>} : memref<1x8192xf32, #tpu.memory_space<vmem>>, vector<1x1024xf32>,
        %min3A_640 = arith.minimumf %while3A_603, %broadcast_in_dim3A_629 : vector<512x1xf32>
        %mul3A_641 = arith.constant 2 : i32
        %mul3A_642 = arith.muli %mul3A_641, %while3A_602 : i32
        %add3A_643 = arith.constant 1 : i32
        %add3A_644 = arith.addi %mul3A_642, %add3A_643 : i32
        %mul3A_645 = arith.constant 1024 : i32
        %mul3A_646 = arith.muli %add3A_644, %mul3A_645 : i32
        %get3A_647 = arith.constant 0 : index
        %get3A_648 = arith.constant 0 : index
        %get3A_649 = arith.index_cast %mul3A_646 : i32 to index
        %get3A_650 = vector.load %arg4[%get3A_647, %get3A_648, %get3A_649] : memref<1x1x8192xf32, #tpu.memory_space<vmem>>, vector<1x1x1024xf32>
        %get3A_651 = vector.shape_cast %get3A_650 : vector<1x1x1024xf32> to vector<1x1024xf32>
        %get3A_652 = arith.constant 0 : index
        %get3A_653 = arith.constant 0 : index
        %get3A_654 = arith.index_cast %mul3A_646 : i32 to index
        %get3A_655 = vector.load %arg5[%get3A_652, %get3A_653, %get3A_654] : memref<1x1x8192xf32, #tpu.memory_space<vmem>>, vector<1x1x1024xf32>
        %get3A_656 = vector.shape_cast %get3A_655 : vector<1x1x1024xf32> to vector<1x1024xf32>
        %sub3A_657 = vector.broadcast %get3A_516 : vector<512x1xf32> to vector<512x1024xf32>
        %sub3A_658 = vector.broadcast %get3A_651 : vector<1x1024xf32> to vector<512x1024xf32>
        %sub3A_659 = arith.subf %sub3A_657, %sub3A_658 : vector<512x1024xf32>
        %sub3A_660 = vector.broadcast %get3A_521 : vector<512x1xf32> to vector<512x1024xf32>
        %sub3A_661 = vector.broadcast %get3A_656 : vector<1x1024xf32> to vector<512x1024xf32>
        %sub3A_662 = arith.subf %sub3A_660, %sub3A_661 : vector<512x1024xf32>
        %mul3A_663 = arith.mulf %sub3A_659, %sub3A_659 : vector<512x1024xf32>
        %mul3A_664 = arith.mulf %sub3A_662, %sub3A_662 : vector<512x1024xf32>
        %add3A_665 = arith.addf %mul3A_663, %mul3A_664 : vector<512x1024xf32>
        %reduce_min3A_666 = arith.constant dense<0x7F800000> : vector<512xf32>
        %reduce_min3A_667 = vector.multi_reduction <minimumf>, %add3A_665, %reduce_min3A_666 [1] : vector<512x1024xf32> to vector<512xf32>
        %broadcast_in_dim3A_668 = vector.shape_cast %reduce_min3A_667 : vector<512xf32> to vector<512x1xf32>
        %reduce_min3A_669 = arith.constant dense<0x7F800000> : vector<1024xf32>
        %reduce_min3A_670 = vector.multi_reduction <minimumf>, %add3A_665, %reduce_min3A_669 [0] : vector<512x1024xf32> to vector<1024xf32>
        %broadcast_in_dim3A_671 = vector.shape_cast %reduce_min3A_670 : vector<1024xf32> to vector<1x1024xf32>
        %get3A_672 = arith.constant 0 : index
        %get3A_673 = arith.index_cast %mul3A_646 : i32 to index
        %get3A_674 = vector.load %arg9[%get3A_672, %get3A_673] : memref<1x8192xf32, #tpu.memory_space<vmem>>, vector<1x1024xf32>
        %min3A_675 = arith.minimumf %get3A_674, %broadcast_in_dim3A_671 : vector<1x1024xf32>
        %swap3A_676 = arith.constant 0 : index
        %swap3A_677 = arith.index_cast %mul3A_646 : i32 to index
        %swap3A_678 = vector.load %arg9[%swap3A_676, %swap3A_677] : memref<1x8192xf32, #tpu.memory_space<vmem>>, vector<1x1024xf32>
        tpu.vector_store %arg9[%swap3A_676, %swap3A_677], %min3A_675 {strides = array<i32>} : memref<1x8192xf32, #tpu.memory_space<vmem>>, vector<1x1024xf32>,
        %min3A_679 = arith.minimumf %while3A_604, %broadcast_in_dim3A_668 : vector<512x1xf32>
        scf.yield %min3A_640, %min3A_679 : vector<512x1xf32>, vector<512x1xf32>
      }
      %while3A_557 = arith.constant 1 : i32
      %while3A_558:2 = scf.for %while3A_602 = %while3A_554 to %while3A_550 step %while3A_557 iter_args(%while3A_603 = %while3A_556#0, %while3A_604 = %while3A_556#1) -> (vector<512x1xf32>, vector<512x1xf32>)  : i32 {
        %mul3A_605 = arith.constant 2 : i32
        %mul3A_606 = arith.muli %mul3A_605, %while3A_602 : i32
        %mul3A_607 = arith.constant 1024 : i32
        %mul3A_608 = arith.muli %mul3A_606, %mul3A_607 : i32
        %get3A_609 = arith.constant 0 : index
        %get3A_610 = arith.constant 0 : index
        %get3A_611 = arith.index_cast %mul3A_608 : i32 to index
        %get3A_612 = vector.load %arg4[%get3A_609, %get3A_610, %get3A_611] : memref<1x1x8192xf32, #tpu.memory_space<vmem>>, vector<1x1x1024xf32>
        %get3A_613 = vector.shape_cast %get3A_612 : vector<1x1x1024xf32> to vector<1x1024xf32>
        %get3A_614 = arith.constant 0 : index
        %get3A_615 = arith.constant 0 : index
        %get3A_616 = arith.index_cast %mul3A_608 : i32 to index
        %get3A_617 = vector.load %arg5[%get3A_614, %get3A_615, %get3A_616] : memref<1x1x8192xf32, #tpu.memory_space<vmem>>, vector<1x1x1024xf32>
        %get3A_618 = vector.shape_cast %get3A_617 : vector<1x1x1024xf32> to vector<1x1024xf32>
        %sub3A_619 = vector.broadcast %get3A_516 : vector<512x1xf32> to vector<512x1024xf32>
        %sub3A_620 = vector.broadcast %get3A_613 : vector<1x1024xf32> to vector<512x1024xf32>
        %sub3A_621 = arith.subf %sub3A_619, %sub3A_620 : vector<512x1024xf32>
        %sub3A_622 = vector.broadcast %get3A_521 : vector<512x1xf32> to vector<512x1024xf32>
        %sub3A_623 = vector.broadcast %get3A_618 : vector<1x1024xf32> to vector<512x1024xf32>
        %sub3A_624 = arith.subf %sub3A_622, %sub3A_623 : vector<512x1024xf32>
        %mul3A_625 = arith.mulf %sub3A_621, %sub3A_621 : vector<512x1024xf32>
        %mul3A_626 = arith.mulf %sub3A_624, %sub3A_624 : vector<512x1024xf32>
        %add3A_627 = arith.addf %mul3A_625, %mul3A_626 : vector<512x1024xf32>
        %reduce_min3A = arith.constant dense<0x7F800000> : vector<512xf32>
        %reduce_min3A_628 = vector.multi_reduction <minimumf>, %add3A_627, %reduce_min3A [1] : vector<512x1024xf32> to vector<512xf32>
        %broadcast_in_dim3A_629 = vector.shape_cast %reduce_min3A_628 : vector<512xf32> to vector<512x1xf32>
        %reduce_min3A_630 = arith.constant dense<0x7F800000> : vector<1024xf32>
        %reduce_min3A_631 = vector.multi_reduction <minimumf>, %add3A_627, %reduce_min3A_630 [0] : vector<512x1024xf32> to vector<1024xf32>
        %broadcast_in_dim3A_632 = vector.shape_cast %reduce_min3A_631 : vector<1024xf32> to vector<1x1024xf32>
        %get3A_633 = arith.constant 0 : index
        %get3A_634 = arith.index_cast %mul3A_608 : i32 to index
        %get3A_635 = vector.load %arg9[%get3A_633, %get3A_634] : memref<1x8192xf32, #tpu.memory_space<vmem>>, vector<1x1024xf32>
        %min3A_636 = arith.minimumf %get3A_635, %broadcast_in_dim3A_632 : vector<1x1024xf32>
        %swap3A_637 = arith.constant 0 : index
        %swap3A_638 = arith.index_cast %mul3A_608 : i32 to index
        %swap3A_639 = vector.load %arg9[%swap3A_637, %swap3A_638] : memref<1x8192xf32, #tpu.memory_space<vmem>>, vector<1x1024xf32>
        tpu.vector_store %arg9[%swap3A_637, %swap3A_638], %min3A_636 {strides = array<i32>} : memref<1x8192xf32, #tpu.memory_space<vmem>>, vector<1x1024xf32>,
        %min3A_640 = arith.minimumf %while3A_603, %broadcast_in_dim3A_629 : vector<512x1xf32>
        %mul3A_641 = arith.constant 2 : i32
        %mul3A_642 = arith.muli %mul3A_641, %while3A_602 : i32
        %add3A_643 = arith.constant 1 : i32
        %add3A_644 = arith.addi %mul3A_642, %add3A_643 : i32
        %mul3A_645 = arith.constant 1024 : i32
        %mul3A_646 = arith.muli %add3A_644, %mul3A_645 : i32
        %get3A_647 = arith.constant 0 : index
        %get3A_648 = arith.constant 0 : index
        %get3A_649 = arith.index_cast %mul3A_646 : i32 to index
        %get3A_650 = vector.load %arg4[%get3A_647, %get3A_648, %get3A_649] : memref<1x1x8192xf32, #tpu.memory_space<vmem>>, vector<1x1x1024xf32>
        %get3A_651 = vector.shape_cast %get3A_650 : vector<1x1x1024xf32> to vector<1x1024xf32>
        %get3A_652 = arith.constant 0 : index
        %get3A_653 = arith.constant 0 : index
        %get3A_654 = arith.index_cast %mul3A_646 : i32 to index
        %get3A_655 = vector.load %arg5[%get3A_652, %get3A_653, %get3A_654] : memref<1x1x8192xf32, #tpu.memory_space<vmem>>, vector<1x1x1024xf32>
        %get3A_656 = vector.shape_cast %get3A_655 : vector<1x1x1024xf32> to vector<1x1024xf32>
        %sub3A_657 = vector.broadcast %get3A_516 : vector<512x1xf32> to vector<512x1024xf32>
        %sub3A_658 = vector.broadcast %get3A_651 : vector<1x1024xf32> to vector<512x1024xf32>
        %sub3A_659 = arith.subf %sub3A_657, %sub3A_658 : vector<512x1024xf32>
        %sub3A_660 = vector.broadcast %get3A_521 : vector<512x1xf32> to vector<512x1024xf32>
        %sub3A_661 = vector.broadcast %get3A_656 : vector<1x1024xf32> to vector<512x1024xf32>
        %sub3A_662 = arith.subf %sub3A_660, %sub3A_661 : vector<512x1024xf32>
        %mul3A_663 = arith.mulf %sub3A_659, %sub3A_659 : vector<512x1024xf32>
        %mul3A_664 = arith.mulf %sub3A_662, %sub3A_662 : vector<512x1024xf32>
        %add3A_665 = arith.addf %mul3A_663, %mul3A_664 : vector<512x1024xf32>
        %reduce_min3A_666 = arith.constant dense<0x7F800000> : vector<512xf32>
        %reduce_min3A_667 = vector.multi_reduction <minimumf>, %add3A_665, %reduce_min3A_666 [1] : vector<512x1024xf32> to vector<512xf32>
        %broadcast_in_dim3A_668 = vector.shape_cast %reduce_min3A_667 : vector<512xf32> to vector<512x1xf32>
        %reduce_min3A_669 = arith.constant dense<0x7F800000> : vector<1024xf32>
        %reduce_min3A_670 = vector.multi_reduction <minimumf>, %add3A_665, %reduce_min3A_669 [0] : vector<512x1024xf32> to vector<1024xf32>
        %broadcast_in_dim3A_671 = vector.shape_cast %reduce_min3A_670 : vector<1024xf32> to vector<1x1024xf32>
        %get3A_672 = arith.constant 0 : index
        %get3A_673 = arith.index_cast %mul3A_646 : i32 to index
        %get3A_674 = vector.load %arg9[%get3A_672, %get3A_673] : memref<1x8192xf32, #tpu.memory_space<vmem>>, vector<1x1024xf32>
        %min3A_675 = arith.minimumf %get3A_674, %broadcast_in_dim3A_671 : vector<1x1024xf32>
        %swap3A_676 = arith.constant 0 : index
        %swap3A_677 = arith.index_cast %mul3A_646 : i32 to index
        %swap3A_678 = vector.load %arg9[%swap3A_676, %swap3A_677] : memref<1x8192xf32, #tpu.memory_space<vmem>>, vector<1x1024xf32>
        tpu.vector_store %arg9[%swap3A_676, %swap3A_677], %min3A_675 {strides = array<i32>} : memref<1x8192xf32, #tpu.memory_space<vmem>>, vector<1x1024xf32>,
        %min3A_679 = arith.minimumf %while3A_604, %broadcast_in_dim3A_668 : vector<512x1xf32>
        scf.yield %min3A_640, %min3A_679 : vector<512x1xf32>, vector<512x1xf32>
      }
      %jit3A_559 = arith.constant 2 : i32
      %eq3A_560 = arith.constant 0 : i32
      %eq3A_561 = arith.cmpi eq, %jit3A_559, %eq3A_560 : i32
      %jit3A_562 = arith.constant 1 : i32
      %select_n3A_563 = arith.select %eq3A_561, %jit3A_562, %jit3A_559 : i32
      %rem3A_564 = arith.remsi %select_n3A, %select_n3A_563 : i32
      %ne3A_565 = arith.constant 0 : i32
      %ne3A_566 = arith.cmpi ne, %rem3A_564, %ne3A_565 : i32
      %lt3A_567 = arith.constant 0 : i32
      %lt3A_568 = arith.cmpi slt, %rem3A_564, %lt3A_567 : i32
      %lt3A_569 = arith.constant 0 : i32
      %lt3A_570 = arith.cmpi slt, %select_n3A_563, %lt3A_569 : i32
      %ne3A_571 = arith.xori %lt3A_568, %lt3A_570 : i1
      %and3A_572 = arith.andi %ne3A_571, %ne3A_566 : i1
      %add3A_573 = arith.addi %rem3A_564, %select_n3A_563 : i32
      %select_n3A_574 = arith.select %and3A_572, %add3A_573, %rem3A_564 : i32
      %eq3A_575 = arith.constant 1 : i32
      %eq3A_576 = arith.cmpi eq, %select_n3A_574, %eq3A_575 : i32
      %min3A = arith.minimumf %while3A_558#0, %while3A_558#1 : vector<512x1xf32>
      %convert_element_type3A_577 = arith.extui %eq3A_576 : i1 to i32
      %cond3A_578 = arith.constant 0 : i32
      %cond3A_579 = arith.cmpi ne, %convert_element_type3A_577, %cond3A_578 : i32
      %cond3A_580 = scf.if %cond3A_579 -> (vector<512x1xf32>) {
        %sub3A_602 = arith.constant 1 : i32
        %sub3A_603 = arith.subi %select_n3A, %sub3A_602 : i32
        %mul3A_604 = arith.constant 1024 : i32
        %mul3A_605 = arith.muli %sub3A_603, %mul3A_604 : i32
        %get3A_606 = arith.constant 0 : index
        %get3A_607 = arith.constant 0 : index
        %get3A_608 = arith.index_cast %mul3A_605 : i32 to index
        %get3A_609 = vector.load %arg4[%get3A_606, %get3A_607, %get3A_608] : memref<1x1x8192xf32, #tpu.memory_space<vmem>>, vector<1x1x1024xf32>
        %get3A_610 = vector.shape_cast %get3A_609 : vector<1x1x1024xf32> to vector<1x1024xf32>
        %get3A_611 = arith.constant 0 : index
        %get3A_612 = arith.constant 0 : index
        %get3A_613 = arith.index_cast %mul3A_605 : i32 to index
        %get3A_614 = vector.load %arg5[%get3A_611, %get3A_612, %get3A_613] : memref<1x1x8192xf32, #tpu.memory_space<vmem>>, vector<1x1x1024xf32>
        %get3A_615 = vector.shape_cast %get3A_614 : vector<1x1x1024xf32> to vector<1x1024xf32>
        %sub3A_616 = vector.broadcast %get3A_516 : vector<512x1xf32> to vector<512x1024xf32>
        %sub3A_617 = vector.broadcast %get3A_610 : vector<1x1024xf32> to vector<512x1024xf32>
        %sub3A_618 = arith.subf %sub3A_616, %sub3A_617 : vector<512x1024xf32>
        %sub3A_619 = vector.broadcast %get3A_521 : vector<512x1xf32> to vector<512x1024xf32>
        %sub3A_620 = vector.broadcast %get3A_615 : vector<1x1024xf32> to vector<512x1024xf32>
        %sub3A_621 = arith.subf %sub3A_619, %sub3A_620 : vector<512x1024xf32>
        %mul3A_622 = arith.mulf %sub3A_618, %sub3A_618 : vector<512x1024xf32>
        %mul3A_623 = arith.mulf %sub3A_621, %sub3A_621 : vector<512x1024xf32>
        %add3A_624 = arith.addf %mul3A_622, %mul3A_623 : vector<512x1024xf32>
        %reduce_min3A = arith.constant dense<0x7F800000> : vector<512xf32>
        %reduce_min3A_625 = vector.multi_reduction <minimumf>, %add3A_624, %reduce_min3A [1] : vector<512x1024xf32> to vector<512xf32>
        %broadcast_in_dim3A_626 = vector.shape_cast %reduce_min3A_625 : vector<512xf32> to vector<512x1xf32>
        %reduce_min3A_627 = arith.constant dense<0x7F800000> : vector<1024xf32>
        %reduce_min3A_628 = vector.multi_reduction <minimumf>, %add3A_624, %reduce_min3A_627 [0] : vector<512x1024xf32> to vector<1024xf32>
        %broadcast_in_dim3A_629 = vector.shape_cast %reduce_min3A_628 : vector<1024xf32> to vector<1x1024xf32>
        %get3A_630 = arith.constant 0 : index
        %get3A_631 = arith.index_cast %mul3A_605 : i32 to index
        %get3A_632 = vector.load %arg9[%get3A_630, %get3A_631] : memref<1x8192xf32, #tpu.memory_space<vmem>>, vector<1x1024xf32>
        %min3A_633 = arith.minimumf %get3A_632, %broadcast_in_dim3A_629 : vector<1x1024xf32>
        %swap3A_634 = arith.constant 0 : index
        %swap3A_635 = arith.index_cast %mul3A_605 : i32 to index
        %swap3A_636 = vector.load %arg9[%swap3A_634, %swap3A_635] : memref<1x8192xf32, #tpu.memory_space<vmem>>, vector<1x1024xf32>
        tpu.vector_store %arg9[%swap3A_634, %swap3A_635], %min3A_633 {strides = array<i32>} : memref<1x8192xf32, #tpu.memory_space<vmem>>, vector<1x1024xf32>,
        %min3A_637 = arith.minimumf %min3A, %broadcast_in_dim3A_626 : vector<512x1xf32>
        scf.yield %min3A_637 : vector<512x1xf32>
      } else {
        scf.yield %min3A : vector<512x1xf32>
      }
      %lt3A_581 = arith.constant 1.000000e+09 : f32
      %lt3A_582 = vector.broadcast %lt3A_581 : f32 to vector<512x1xf32>
      %lt3A_583 = arith.cmpf olt, %get3A_516, %lt3A_582 : vector<512x1xf32>
      %sqrt3A_584 = math.sqrt %cond3A_580 : vector<512x1xf32>
      %jit3A_585 = arith.constant 0.000000e+00 : f32
      %broadcast_in_dim3A_586 = vector.broadcast %jit3A_585 : f32 to vector<512x1xf32>
      %select_n3A_587 = arith.select %lt3A_583, %sqrt3A_584, %broadcast_in_dim3A_586 : vector<512x1xi1>, vector<512x1xf32>
      %reduce_sum3A_588 = vector.shape_cast %select_n3A_587 : vector<512x1xf32> to vector<1x512x1xf32>
      %reduce_sum3A_589 = arith.constant dense<0.000000e+00> : vector<1xf32>
      %reduce_sum3A_590 = vector.multi_reduction <add>, %reduce_sum3A_588, %reduce_sum3A_589 [1, 2] : vector<1x512x1xf32> to vector<1xf32>
      %reduce_sum3A_591 = vector.shape_cast %reduce_sum3A_590 : vector<1xf32> to vector<1x1x1xf32>
      %reduce_sum3A_592 = vector.extract %reduce_sum3A_591[0, 0, 0] : f32 from vector<1x1x1xf32>
      %add3A_593 = arith.addf %while3A_508, %reduce_sum3A_592 : f32
      %convert_element_type3A_594 = arith.extui %lt3A_583 : vector<512x1xi1> to vector<512x1xi32>
      %convert_element_type3A_595 = arith.sitofp %convert_element_type3A_594 : vector<512x1xi32> to vector<512x1xf32>
      %reduce_sum3A_596 = vector.shape_cast %convert_element_type3A_595 : vector<512x1xf32> to vector<1x512x1xf32>
      %reduce_sum3A_597 = arith.constant dense<0.000000e+00> : vector<1xf32>
      %reduce_sum3A_598 = vector.multi_reduction <add>, %reduce_sum3A_596, %reduce_sum3A_597 [1, 2] : vector<1x512x1xf32> to vector<1xf32>
      %reduce_sum3A_599 = vector.shape_cast %reduce_sum3A_598 : vector<1xf32> to vector<1x1x1xf32>
      %reduce_sum3A_600 = vector.extract %reduce_sum3A_599[0, 0, 0] : f32 from vector<1x1x1xf32>
      %add3A_601 = arith.addf %while3A_509, %reduce_sum3A_600 : f32
      scf.yield %add3A_593, %add3A_601 : f32, f32
    }
    %while3A_448 = arith.constant 1 : i32
    %while3A_449:2 = scf.for %while3A_507 = %while3A_445 to %while3A_441 step %while3A_448 iter_args(%while3A_508 = %while3A_447#0, %while3A_509 = %while3A_447#1) -> (f32, f32)  : i32 {
      %mul3A_510 = arith.constant 512 : i32
      %mul3A_511 = arith.muli %while3A_507, %mul3A_510 : i32
      %get3A_512 = arith.constant 0 : index
      %get3A_513 = arith.index_cast %mul3A_511 : i32 to index
      %get3A_514 = arith.constant 0 : index
      %get3A_515 = vector.load %arg2[%get3A_512, %get3A_513, %get3A_514] : memref<1x8192x1xf32, #tpu.memory_space<vmem>>, vector<1x512x1xf32>
      %get3A_516 = vector.shape_cast %get3A_515 : vector<1x512x1xf32> to vector<512x1xf32>
      %get3A_517 = arith.constant 0 : index
      %get3A_518 = arith.index_cast %mul3A_511 : i32 to index
      %get3A_519 = arith.constant 0 : index
      %get3A_520 = vector.load %arg3[%get3A_517, %get3A_518, %get3A_519] : memref<1x8192x1xf32, #tpu.memory_space<vmem>>, vector<1x512x1xf32>
      %get3A_521 = vector.shape_cast %get3A_520 : vector<1x512x1xf32> to vector<512x1xf32>
      %broadcast_in_dim3A_522 = arith.constant 0x7F800000 : f32
      %broadcast_in_dim3A_523 = vector.broadcast %broadcast_in_dim3A_522 : f32 to vector<512x1xf32>
      %jit3A_524 = arith.constant 2 : i32
      %div3A_525 = arith.divsi %select_n3A, %jit3A_524 : i32
      %sign3A_526 = arith.constant 0 : i32
      %sign3A_527 = arith.cmpi sgt, %select_n3A, %sign3A_526 : i32
      %sign3A_528 = arith.extui %sign3A_527 : i1 to i32
      %sign3A_529 = arith.constant 0 : i32
      %sign3A_530 = arith.cmpi slt, %select_n3A, %sign3A_529 : i32
      %sign3A_531 = arith.extui %sign3A_530 : i1 to i32
      %sign3A_532 = arith.subi %sign3A_528, %sign3A_531 : i32
      %sign3A_533 = arith.constant 0 : i32
      %sign3A_534 = arith.cmpi sgt, %jit3A_524, %sign3A_533 : i32
      %sign3A_535 = arith.extui %sign3A_534 : i1 to i32
      %sign3A_536 = arith.constant 0 : i32
      %sign3A_537 = arith.cmpi slt, %jit3A_524, %sign3A_536 : i32
      %sign3A_538 = arith.extui %sign3A_537 : i1 to i32
      %sign3A_539 = arith.subi %sign3A_535, %sign3A_538 : i32
      %ne3A_540 = arith.cmpi ne, %sign3A_532, %sign3A_539 : i32
      %rem3A_541 = arith.remsi %select_n3A, %jit3A_524 : i32
      %ne3A_542 = arith.constant 0 : i32
      %ne3A_543 = arith.cmpi ne, %rem3A_541, %ne3A_542 : i32
      %and3A_544 = arith.andi %ne3A_540, %ne3A_543 : i1
      %sub3A_545 = arith.constant 1 : i32
      %sub3A_546 = arith.subi %div3A_525, %sub3A_545 : i32
      %select_n3A_547 = arith.select %and3A_544, %sub3A_546, %div3A_525 : i32
      %while3A_548 = arith.constant 0 : i32
      %while3A_549 = arith.subi %select_n3A_547, %while3A_548 : i32
      %while3A_550 = arith.addi %while3A_548, %while3A_549 : i32
      %while3A_551 = arith.constant 1 : i32
      %while3A_552 = arith.divsi %while3A_549, %while3A_551 : i32
      %while3A_553 = arith.muli %while3A_552, %while3A_551 : i32
      %while3A_554 = arith.addi %while3A_548, %while3A_553 : i32
      %while3A_555 = arith.constant 1 : i32
      %while3A_556:2 = scf.for %while3A_602 = %while3A_548 to %while3A_554 step %while3A_555 iter_args(%while3A_603 = %broadcast_in_dim3A_523, %while3A_604 = %broadcast_in_dim3A_523) -> (vector<512x1xf32>, vector<512x1xf32>)  : i32 {
        %mul3A_605 = arith.constant 2 : i32
        %mul3A_606 = arith.muli %mul3A_605, %while3A_602 : i32
        %mul3A_607 = arith.constant 1024 : i32
        %mul3A_608 = arith.muli %mul3A_606, %mul3A_607 : i32
        %get3A_609 = arith.constant 0 : index
        %get3A_610 = arith.constant 0 : index
        %get3A_611 = arith.index_cast %mul3A_608 : i32 to index
        %get3A_612 = vector.load %arg4[%get3A_609, %get3A_610, %get3A_611] : memref<1x1x8192xf32, #tpu.memory_space<vmem>>, vector<1x1x1024xf32>
        %get3A_613 = vector.shape_cast %get3A_612 : vector<1x1x1024xf32> to vector<1x1024xf32>
        %get3A_614 = arith.constant 0 : index
        %get3A_615 = arith.constant 0 : index
        %get3A_616 = arith.index_cast %mul3A_608 : i32 to index
        %get3A_617 = vector.load %arg5[%get3A_614, %get3A_615, %get3A_616] : memref<1x1x8192xf32, #tpu.memory_space<vmem>>, vector<1x1x1024xf32>
        %get3A_618 = vector.shape_cast %get3A_617 : vector<1x1x1024xf32> to vector<1x1024xf32>
        %sub3A_619 = vector.broadcast %get3A_516 : vector<512x1xf32> to vector<512x1024xf32>
        %sub3A_620 = vector.broadcast %get3A_613 : vector<1x1024xf32> to vector<512x1024xf32>
        %sub3A_621 = arith.subf %sub3A_619, %sub3A_620 : vector<512x1024xf32>
        %sub3A_622 = vector.broadcast %get3A_521 : vector<512x1xf32> to vector<512x1024xf32>
        %sub3A_623 = vector.broadcast %get3A_618 : vector<1x1024xf32> to vector<512x1024xf32>
        %sub3A_624 = arith.subf %sub3A_622, %sub3A_623 : vector<512x1024xf32>
        %mul3A_625 = arith.mulf %sub3A_621, %sub3A_621 : vector<512x1024xf32>
        %mul3A_626 = arith.mulf %sub3A_624, %sub3A_624 : vector<512x1024xf32>
        %add3A_627 = arith.addf %mul3A_625, %mul3A_626 : vector<512x1024xf32>
        %reduce_min3A = arith.constant dense<0x7F800000> : vector<512xf32>
        %reduce_min3A_628 = vector.multi_reduction <minimumf>, %add3A_627, %reduce_min3A [1] : vector<512x1024xf32> to vector<512xf32>
        %broadcast_in_dim3A_629 = vector.shape_cast %reduce_min3A_628 : vector<512xf32> to vector<512x1xf32>
        %reduce_min3A_630 = arith.constant dense<0x7F800000> : vector<1024xf32>
        %reduce_min3A_631 = vector.multi_reduction <minimumf>, %add3A_627, %reduce_min3A_630 [0] : vector<512x1024xf32> to vector<1024xf32>
        %broadcast_in_dim3A_632 = vector.shape_cast %reduce_min3A_631 : vector<1024xf32> to vector<1x1024xf32>
        %get3A_633 = arith.constant 0 : index
        %get3A_634 = arith.index_cast %mul3A_608 : i32 to index
        %get3A_635 = vector.load %arg9[%get3A_633, %get3A_634] : memref<1x8192xf32, #tpu.memory_space<vmem>>, vector<1x1024xf32>
        %min3A_636 = arith.minimumf %get3A_635, %broadcast_in_dim3A_632 : vector<1x1024xf32>
        %swap3A_637 = arith.constant 0 : index
        %swap3A_638 = arith.index_cast %mul3A_608 : i32 to index
        %swap3A_639 = vector.load %arg9[%swap3A_637, %swap3A_638] : memref<1x8192xf32, #tpu.memory_space<vmem>>, vector<1x1024xf32>
        tpu.vector_store %arg9[%swap3A_637, %swap3A_638], %min3A_636 {strides = array<i32>} : memref<1x8192xf32, #tpu.memory_space<vmem>>, vector<1x1024xf32>,
        %min3A_640 = arith.minimumf %while3A_603, %broadcast_in_dim3A_629 : vector<512x1xf32>
        %mul3A_641 = arith.constant 2 : i32
        %mul3A_642 = arith.muli %mul3A_641, %while3A_602 : i32
        %add3A_643 = arith.constant 1 : i32
        %add3A_644 = arith.addi %mul3A_642, %add3A_643 : i32
        %mul3A_645 = arith.constant 1024 : i32
        %mul3A_646 = arith.muli %add3A_644, %mul3A_645 : i32
        %get3A_647 = arith.constant 0 : index
        %get3A_648 = arith.constant 0 : index
        %get3A_649 = arith.index_cast %mul3A_646 : i32 to index
        %get3A_650 = vector.load %arg4[%get3A_647, %get3A_648, %get3A_649] : memref<1x1x8192xf32, #tpu.memory_space<vmem>>, vector<1x1x1024xf32>
        %get3A_651 = vector.shape_cast %get3A_650 : vector<1x1x1024xf32> to vector<1x1024xf32>
        %get3A_652 = arith.constant 0 : index
        %get3A_653 = arith.constant 0 : index
        %get3A_654 = arith.index_cast %mul3A_646 : i32 to index
        %get3A_655 = vector.load %arg5[%get3A_652, %get3A_653, %get3A_654] : memref<1x1x8192xf32, #tpu.memory_space<vmem>>, vector<1x1x1024xf32>
        %get3A_656 = vector.shape_cast %get3A_655 : vector<1x1x1024xf32> to vector<1x1024xf32>
        %sub3A_657 = vector.broadcast %get3A_516 : vector<512x1xf32> to vector<512x1024xf32>
        %sub3A_658 = vector.broadcast %get3A_651 : vector<1x1024xf32> to vector<512x1024xf32>
        %sub3A_659 = arith.subf %sub3A_657, %sub3A_658 : vector<512x1024xf32>
        %sub3A_660 = vector.broadcast %get3A_521 : vector<512x1xf32> to vector<512x1024xf32>
        %sub3A_661 = vector.broadcast %get3A_656 : vector<1x1024xf32> to vector<512x1024xf32>
        %sub3A_662 = arith.subf %sub3A_660, %sub3A_661 : vector<512x1024xf32>
        %mul3A_663 = arith.mulf %sub3A_659, %sub3A_659 : vector<512x1024xf32>
        %mul3A_664 = arith.mulf %sub3A_662, %sub3A_662 : vector<512x1024xf32>
        %add3A_665 = arith.addf %mul3A_663, %mul3A_664 : vector<512x1024xf32>
        %reduce_min3A_666 = arith.constant dense<0x7F800000> : vector<512xf32>
        %reduce_min3A_667 = vector.multi_reduction <minimumf>, %add3A_665, %reduce_min3A_666 [1] : vector<512x1024xf32> to vector<512xf32>
        %broadcast_in_dim3A_668 = vector.shape_cast %reduce_min3A_667 : vector<512xf32> to vector<512x1xf32>
        %reduce_min3A_669 = arith.constant dense<0x7F800000> : vector<1024xf32>
        %reduce_min3A_670 = vector.multi_reduction <minimumf>, %add3A_665, %reduce_min3A_669 [0] : vector<512x1024xf32> to vector<1024xf32>
        %broadcast_in_dim3A_671 = vector.shape_cast %reduce_min3A_670 : vector<1024xf32> to vector<1x1024xf32>
        %get3A_672 = arith.constant 0 : index
        %get3A_673 = arith.index_cast %mul3A_646 : i32 to index
        %get3A_674 = vector.load %arg9[%get3A_672, %get3A_673] : memref<1x8192xf32, #tpu.memory_space<vmem>>, vector<1x1024xf32>
        %min3A_675 = arith.minimumf %get3A_674, %broadcast_in_dim3A_671 : vector<1x1024xf32>
        %swap3A_676 = arith.constant 0 : index
        %swap3A_677 = arith.index_cast %mul3A_646 : i32 to index
        %swap3A_678 = vector.load %arg9[%swap3A_676, %swap3A_677] : memref<1x8192xf32, #tpu.memory_space<vmem>>, vector<1x1024xf32>
        tpu.vector_store %arg9[%swap3A_676, %swap3A_677], %min3A_675 {strides = array<i32>} : memref<1x8192xf32, #tpu.memory_space<vmem>>, vector<1x1024xf32>,
        %min3A_679 = arith.minimumf %while3A_604, %broadcast_in_dim3A_668 : vector<512x1xf32>
        scf.yield %min3A_640, %min3A_679 : vector<512x1xf32>, vector<512x1xf32>
      }
      %while3A_557 = arith.constant 1 : i32
      %while3A_558:2 = scf.for %while3A_602 = %while3A_554 to %while3A_550 step %while3A_557 iter_args(%while3A_603 = %while3A_556#0, %while3A_604 = %while3A_556#1) -> (vector<512x1xf32>, vector<512x1xf32>)  : i32 {
        %mul3A_605 = arith.constant 2 : i32
        %mul3A_606 = arith.muli %mul3A_605, %while3A_602 : i32
        %mul3A_607 = arith.constant 1024 : i32
        %mul3A_608 = arith.muli %mul3A_606, %mul3A_607 : i32
        %get3A_609 = arith.constant 0 : index
        %get3A_610 = arith.constant 0 : index
        %get3A_611 = arith.index_cast %mul3A_608 : i32 to index
        %get3A_612 = vector.load %arg4[%get3A_609, %get3A_610, %get3A_611] : memref<1x1x8192xf32, #tpu.memory_space<vmem>>, vector<1x1x1024xf32>
        %get3A_613 = vector.shape_cast %get3A_612 : vector<1x1x1024xf32> to vector<1x1024xf32>
        %get3A_614 = arith.constant 0 : index
        %get3A_615 = arith.constant 0 : index
        %get3A_616 = arith.index_cast %mul3A_608 : i32 to index
        %get3A_617 = vector.load %arg5[%get3A_614, %get3A_615, %get3A_616] : memref<1x1x8192xf32, #tpu.memory_space<vmem>>, vector<1x1x1024xf32>
        %get3A_618 = vector.shape_cast %get3A_617 : vector<1x1x1024xf32> to vector<1x1024xf32>
        %sub3A_619 = vector.broadcast %get3A_516 : vector<512x1xf32> to vector<512x1024xf32>
        %sub3A_620 = vector.broadcast %get3A_613 : vector<1x1024xf32> to vector<512x1024xf32>
        %sub3A_621 = arith.subf %sub3A_619, %sub3A_620 : vector<512x1024xf32>
        %sub3A_622 = vector.broadcast %get3A_521 : vector<512x1xf32> to vector<512x1024xf32>
        %sub3A_623 = vector.broadcast %get3A_618 : vector<1x1024xf32> to vector<512x1024xf32>
        %sub3A_624 = arith.subf %sub3A_622, %sub3A_623 : vector<512x1024xf32>
        %mul3A_625 = arith.mulf %sub3A_621, %sub3A_621 : vector<512x1024xf32>
        %mul3A_626 = arith.mulf %sub3A_624, %sub3A_624 : vector<512x1024xf32>
        %add3A_627 = arith.addf %mul3A_625, %mul3A_626 : vector<512x1024xf32>
        %reduce_min3A = arith.constant dense<0x7F800000> : vector<512xf32>
        %reduce_min3A_628 = vector.multi_reduction <minimumf>, %add3A_627, %reduce_min3A [1] : vector<512x1024xf32> to vector<512xf32>
        %broadcast_in_dim3A_629 = vector.shape_cast %reduce_min3A_628 : vector<512xf32> to vector<512x1xf32>
        %reduce_min3A_630 = arith.constant dense<0x7F800000> : vector<1024xf32>
        %reduce_min3A_631 = vector.multi_reduction <minimumf>, %add3A_627, %reduce_min3A_630 [0] : vector<512x1024xf32> to vector<1024xf32>
        %broadcast_in_dim3A_632 = vector.shape_cast %reduce_min3A_631 : vector<1024xf32> to vector<1x1024xf32>
        %get3A_633 = arith.constant 0 : index
        %get3A_634 = arith.index_cast %mul3A_608 : i32 to index
        %get3A_635 = vector.load %arg9[%get3A_633, %get3A_634] : memref<1x8192xf32, #tpu.memory_space<vmem>>, vector<1x1024xf32>
        %min3A_636 = arith.minimumf %get3A_635, %broadcast_in_dim3A_632 : vector<1x1024xf32>
        %swap3A_637 = arith.constant 0 : index
        %swap3A_638 = arith.index_cast %mul3A_608 : i32 to index
        %swap3A_639 = vector.load %arg9[%swap3A_637, %swap3A_638] : memref<1x8192xf32, #tpu.memory_space<vmem>>, vector<1x1024xf32>
        tpu.vector_store %arg9[%swap3A_637, %swap3A_638], %min3A_636 {strides = array<i32>} : memref<1x8192xf32, #tpu.memory_space<vmem>>, vector<1x1024xf32>,
        %min3A_640 = arith.minimumf %while3A_603, %broadcast_in_dim3A_629 : vector<512x1xf32>
        %mul3A_641 = arith.constant 2 : i32
        %mul3A_642 = arith.muli %mul3A_641, %while3A_602 : i32
        %add3A_643 = arith.constant 1 : i32
        %add3A_644 = arith.addi %mul3A_642, %add3A_643 : i32
        %mul3A_645 = arith.constant 1024 : i32
        %mul3A_646 = arith.muli %add3A_644, %mul3A_645 : i32
        %get3A_647 = arith.constant 0 : index
        %get3A_648 = arith.constant 0 : index
        %get3A_649 = arith.index_cast %mul3A_646 : i32 to index
        %get3A_650 = vector.load %arg4[%get3A_647, %get3A_648, %get3A_649] : memref<1x1x8192xf32, #tpu.memory_space<vmem>>, vector<1x1x1024xf32>
        %get3A_651 = vector.shape_cast %get3A_650 : vector<1x1x1024xf32> to vector<1x1024xf32>
        %get3A_652 = arith.constant 0 : index
        %get3A_653 = arith.constant 0 : index
        %get3A_654 = arith.index_cast %mul3A_646 : i32 to index
        %get3A_655 = vector.load %arg5[%get3A_652, %get3A_653, %get3A_654] : memref<1x1x8192xf32, #tpu.memory_space<vmem>>, vector<1x1x1024xf32>
        %get3A_656 = vector.shape_cast %get3A_655 : vector<1x1x1024xf32> to vector<1x1024xf32>
        %sub3A_657 = vector.broadcast %get3A_516 : vector<512x1xf32> to vector<512x1024xf32>
        %sub3A_658 = vector.broadcast %get3A_651 : vector<1x1024xf32> to vector<512x1024xf32>
        %sub3A_659 = arith.subf %sub3A_657, %sub3A_658 : vector<512x1024xf32>
        %sub3A_660 = vector.broadcast %get3A_521 : vector<512x1xf32> to vector<512x1024xf32>
        %sub3A_661 = vector.broadcast %get3A_656 : vector<1x1024xf32> to vector<512x1024xf32>
        %sub3A_662 = arith.subf %sub3A_660, %sub3A_661 : vector<512x1024xf32>
        %mul3A_663 = arith.mulf %sub3A_659, %sub3A_659 : vector<512x1024xf32>
        %mul3A_664 = arith.mulf %sub3A_662, %sub3A_662 : vector<512x1024xf32>
        %add3A_665 = arith.addf %mul3A_663, %mul3A_664 : vector<512x1024xf32>
        %reduce_min3A_666 = arith.constant dense<0x7F800000> : vector<512xf32>
        %reduce_min3A_667 = vector.multi_reduction <minimumf>, %add3A_665, %reduce_min3A_666 [1] : vector<512x1024xf32> to vector<512xf32>
        %broadcast_in_dim3A_668 = vector.shape_cast %reduce_min3A_667 : vector<512xf32> to vector<512x1xf32>
        %reduce_min3A_669 = arith.constant dense<0x7F800000> : vector<1024xf32>
        %reduce_min3A_670 = vector.multi_reduction <minimumf>, %add3A_665, %reduce_min3A_669 [0] : vector<512x1024xf32> to vector<1024xf32>
        %broadcast_in_dim3A_671 = vector.shape_cast %reduce_min3A_670 : vector<1024xf32> to vector<1x1024xf32>
        %get3A_672 = arith.constant 0 : index
        %get3A_673 = arith.index_cast %mul3A_646 : i32 to index
        %get3A_674 = vector.load %arg9[%get3A_672, %get3A_673] : memref<1x8192xf32, #tpu.memory_space<vmem>>, vector<1x1024xf32>
        %min3A_675 = arith.minimumf %get3A_674, %broadcast_in_dim3A_671 : vector<1x1024xf32>
        %swap3A_676 = arith.constant 0 : index
        %swap3A_677 = arith.index_cast %mul3A_646 : i32 to index
        %swap3A_678 = vector.load %arg9[%swap3A_676, %swap3A_677] : memref<1x8192xf32, #tpu.memory_space<vmem>>, vector<1x1024xf32>
        tpu.vector_store %arg9[%swap3A_676, %swap3A_677], %min3A_675 {strides = array<i32>} : memref<1x8192xf32, #tpu.memory_space<vmem>>, vector<1x1024xf32>,
        %min3A_679 = arith.minimumf %while3A_604, %broadcast_in_dim3A_668 : vector<512x1xf32>
        scf.yield %min3A_640, %min3A_679 : vector<512x1xf32>, vector<512x1xf32>
      }
      %jit3A_559 = arith.constant 2 : i32
      %eq3A_560 = arith.constant 0 : i32
      %eq3A_561 = arith.cmpi eq, %jit3A_559, %eq3A_560 : i32
      %jit3A_562 = arith.constant 1 : i32
      %select_n3A_563 = arith.select %eq3A_561, %jit3A_562, %jit3A_559 : i32
      %rem3A_564 = arith.remsi %select_n3A, %select_n3A_563 : i32
      %ne3A_565 = arith.constant 0 : i32
      %ne3A_566 = arith.cmpi ne, %rem3A_564, %ne3A_565 : i32
      %lt3A_567 = arith.constant 0 : i32
      %lt3A_568 = arith.cmpi slt, %rem3A_564, %lt3A_567 : i32
      %lt3A_569 = arith.constant 0 : i32
      %lt3A_570 = arith.cmpi slt, %select_n3A_563, %lt3A_569 : i32
      %ne3A_571 = arith.xori %lt3A_568, %lt3A_570 : i1
      %and3A_572 = arith.andi %ne3A_571, %ne3A_566 : i1
      %add3A_573 = arith.addi %rem3A_564, %select_n3A_563 : i32
      %select_n3A_574 = arith.select %and3A_572, %add3A_573, %rem3A_564 : i32
      %eq3A_575 = arith.constant 1 : i32
      %eq3A_576 = arith.cmpi eq, %select_n3A_574, %eq3A_575 : i32
      %min3A = arith.minimumf %while3A_558#0, %while3A_558#1 : vector<512x1xf32>
      %convert_element_type3A_577 = arith.extui %eq3A_576 : i1 to i32
      %cond3A_578 = arith.constant 0 : i32
      %cond3A_579 = arith.cmpi ne, %convert_element_type3A_577, %cond3A_578 : i32
      %cond3A_580 = scf.if %cond3A_579 -> (vector<512x1xf32>) {
        %sub3A_602 = arith.constant 1 : i32
        %sub3A_603 = arith.subi %select_n3A, %sub3A_602 : i32
        %mul3A_604 = arith.constant 1024 : i32
        %mul3A_605 = arith.muli %sub3A_603, %mul3A_604 : i32
        %get3A_606 = arith.constant 0 : index
        %get3A_607 = arith.constant 0 : index
        %get3A_608 = arith.index_cast %mul3A_605 : i32 to index
        %get3A_609 = vector.load %arg4[%get3A_606, %get3A_607, %get3A_608] : memref<1x1x8192xf32, #tpu.memory_space<vmem>>, vector<1x1x1024xf32>
        %get3A_610 = vector.shape_cast %get3A_609 : vector<1x1x1024xf32> to vector<1x1024xf32>
        %get3A_611 = arith.constant 0 : index
        %get3A_612 = arith.constant 0 : index
        %get3A_613 = arith.index_cast %mul3A_605 : i32 to index
        %get3A_614 = vector.load %arg5[%get3A_611, %get3A_612, %get3A_613] : memref<1x1x8192xf32, #tpu.memory_space<vmem>>, vector<1x1x1024xf32>
        %get3A_615 = vector.shape_cast %get3A_614 : vector<1x1x1024xf32> to vector<1x1024xf32>
        %sub3A_616 = vector.broadcast %get3A_516 : vector<512x1xf32> to vector<512x1024xf32>
        %sub3A_617 = vector.broadcast %get3A_610 : vector<1x1024xf32> to vector<512x1024xf32>
        %sub3A_618 = arith.subf %sub3A_616, %sub3A_617 : vector<512x1024xf32>
        %sub3A_619 = vector.broadcast %get3A_521 : vector<512x1xf32> to vector<512x1024xf32>
        %sub3A_620 = vector.broadcast %get3A_615 : vector<1x1024xf32> to vector<512x1024xf32>
        %sub3A_621 = arith.subf %sub3A_619, %sub3A_620 : vector<512x1024xf32>
        %mul3A_622 = arith.mulf %sub3A_618, %sub3A_618 : vector<512x1024xf32>
        %mul3A_623 = arith.mulf %sub3A_621, %sub3A_621 : vector<512x1024xf32>
        %add3A_624 = arith.addf %mul3A_622, %mul3A_623 : vector<512x1024xf32>
        %reduce_min3A = arith.constant dense<0x7F800000> : vector<512xf32>
        %reduce_min3A_625 = vector.multi_reduction <minimumf>, %add3A_624, %reduce_min3A [1] : vector<512x1024xf32> to vector<512xf32>
        %broadcast_in_dim3A_626 = vector.shape_cast %reduce_min3A_625 : vector<512xf32> to vector<512x1xf32>
        %reduce_min3A_627 = arith.constant dense<0x7F800000> : vector<1024xf32>
        %reduce_min3A_628 = vector.multi_reduction <minimumf>, %add3A_624, %reduce_min3A_627 [0] : vector<512x1024xf32> to vector<1024xf32>
        %broadcast_in_dim3A_629 = vector.shape_cast %reduce_min3A_628 : vector<1024xf32> to vector<1x1024xf32>
        %get3A_630 = arith.constant 0 : index
        %get3A_631 = arith.index_cast %mul3A_605 : i32 to index
        %get3A_632 = vector.load %arg9[%get3A_630, %get3A_631] : memref<1x8192xf32, #tpu.memory_space<vmem>>, vector<1x1024xf32>
        %min3A_633 = arith.minimumf %get3A_632, %broadcast_in_dim3A_629 : vector<1x1024xf32>
        %swap3A_634 = arith.constant 0 : index
        %swap3A_635 = arith.index_cast %mul3A_605 : i32 to index
        %swap3A_636 = vector.load %arg9[%swap3A_634, %swap3A_635] : memref<1x8192xf32, #tpu.memory_space<vmem>>, vector<1x1024xf32>
        tpu.vector_store %arg9[%swap3A_634, %swap3A_635], %min3A_633 {strides = array<i32>} : memref<1x8192xf32, #tpu.memory_space<vmem>>, vector<1x1024xf32>,
        %min3A_637 = arith.minimumf %min3A, %broadcast_in_dim3A_626 : vector<512x1xf32>
        scf.yield %min3A_637 : vector<512x1xf32>
      } else {
        scf.yield %min3A : vector<512x1xf32>
      }
      %lt3A_581 = arith.constant 1.000000e+09 : f32
      %lt3A_582 = vector.broadcast %lt3A_581 : f32 to vector<512x1xf32>
      %lt3A_583 = arith.cmpf olt, %get3A_516, %lt3A_582 : vector<512x1xf32>
      %sqrt3A_584 = math.sqrt %cond3A_580 : vector<512x1xf32>
      %jit3A_585 = arith.constant 0.000000e+00 : f32
      %broadcast_in_dim3A_586 = vector.broadcast %jit3A_585 : f32 to vector<512x1xf32>
      %select_n3A_587 = arith.select %lt3A_583, %sqrt3A_584, %broadcast_in_dim3A_586 : vector<512x1xi1>, vector<512x1xf32>
      %reduce_sum3A_588 = vector.shape_cast %select_n3A_587 : vector<512x1xf32> to vector<1x512x1xf32>
      %reduce_sum3A_589 = arith.constant dense<0.000000e+00> : vector<1xf32>
      %reduce_sum3A_590 = vector.multi_reduction <add>, %reduce_sum3A_588, %reduce_sum3A_589 [1, 2] : vector<1x512x1xf32> to vector<1xf32>
      %reduce_sum3A_591 = vector.shape_cast %reduce_sum3A_590 : vector<1xf32> to vector<1x1x1xf32>
      %reduce_sum3A_592 = vector.extract %reduce_sum3A_591[0, 0, 0] : f32 from vector<1x1x1xf32>
      %add3A_593 = arith.addf %while3A_508, %reduce_sum3A_592 : f32
      %convert_element_type3A_594 = arith.extui %lt3A_583 : vector<512x1xi1> to vector<512x1xi32>
      %convert_element_type3A_595 = arith.sitofp %convert_element_type3A_594 : vector<512x1xi32> to vector<512x1xf32>
      %reduce_sum3A_596 = vector.shape_cast %convert_element_type3A_595 : vector<512x1xf32> to vector<1x512x1xf32>
      %reduce_sum3A_597 = arith.constant dense<0.000000e+00> : vector<1xf32>
      %reduce_sum3A_598 = vector.multi_reduction <add>, %reduce_sum3A_596, %reduce_sum3A_597 [1, 2] : vector<1x512x1xf32> to vector<1xf32>
      %reduce_sum3A_599 = vector.shape_cast %reduce_sum3A_598 : vector<1xf32> to vector<1x1x1xf32>
      %reduce_sum3A_600 = vector.extract %reduce_sum3A_599[0, 0, 0] : f32 from vector<1x1x1xf32>
      %add3A_601 = arith.addf %while3A_509, %reduce_sum3A_600 : f32
      scf.yield %add3A_593, %add3A_601 : f32, f32
    }
    %get3A_450 = arith.constant 0 : index
    %get3A_451 = arith.constant 0 : index
    %get3A_452 = arith.constant 0 : index
    %get3A_453 = vector.load %arg4[%get3A_450, %get3A_451, %get3A_452] : memref<1x1x8192xf32, #tpu.memory_space<vmem>>, vector<1x1x8192xf32>
    %get3A_454 = vector.shape_cast %get3A_453 : vector<1x1x8192xf32> to vector<1x8192xf32>
    %lt3A = arith.constant 1.000000e+09 : f32
    %lt3A_455 = vector.broadcast %lt3A : f32 to vector<1x8192xf32>
    %lt3A_456 = arith.cmpf olt, %get3A_454, %lt3A_455 : vector<1x8192xf32>
    %get3A_457 = arith.constant 0 : index
    %get3A_458 = arith.constant 0 : index
    %get3A_459 = vector.load %arg9[%get3A_457, %get3A_458] : memref<1x8192xf32, #tpu.memory_space<vmem>>, vector<1x8192xf32>
    %sqrt3A = math.sqrt %get3A_459 : vector<1x8192xf32>
    %jit3A_460 = arith.constant 0.000000e+00 : f32
    %broadcast_in_dim3A_461 = vector.broadcast %jit3A_460 : f32 to vector<1x8192xf32>
    %select_n3A_462 = arith.select %lt3A_456, %sqrt3A, %broadcast_in_dim3A_461 : vector<1x8192xi1>, vector<1x8192xf32>
    %reduce_sum3A_463 = vector.shape_cast %select_n3A_462 : vector<1x8192xf32> to vector<1x1x8192xf32>
    %reduce_sum3A_464 = arith.constant dense<0.000000e+00> : vector<1xf32>
    %reduce_sum3A_465 = vector.multi_reduction <add>, %reduce_sum3A_463, %reduce_sum3A_464 [1, 2] : vector<1x1x8192xf32> to vector<1xf32>
    %reduce_sum3A_466 = vector.shape_cast %reduce_sum3A_465 : vector<1xf32> to vector<1x1x1xf32>
    %reduce_sum3A_467 = vector.extract %reduce_sum3A_466[0, 0, 0] : f32 from vector<1x1x1xf32>
    %convert_element_type3A_468 = arith.extui %lt3A_456 : vector<1x8192xi1> to vector<1x8192xi32>
    %convert_element_type3A_469 = arith.sitofp %convert_element_type3A_468 : vector<1x8192xi32> to vector<1x8192xf32>
    %reduce_sum3A_470 = vector.shape_cast %convert_element_type3A_469 : vector<1x8192xf32> to vector<1x1x8192xf32>
    %reduce_sum3A_471 = arith.constant dense<0.000000e+00> : vector<1xf32>
    %reduce_sum3A_472 = vector.multi_reduction <add>, %reduce_sum3A_470, %reduce_sum3A_471 [1, 2] : vector<1x1x8192xf32> to vector<1xf32>
    %reduce_sum3A_473 = vector.shape_cast %reduce_sum3A_472 : vector<1xf32> to vector<1x1x1xf32>
    %reduce_sum3A_474 = vector.extract %reduce_sum3A_473[0, 0, 0] : f32 from vector<1x1x1xf32>
    %max3A_475 = arith.constant 1.000000e+00 : f32
    %max3A_476 = arith.maximumf %while3A_449#1, %max3A_475 : f32
    %div3A_477 = arith.divf %while3A_449#0, %max3A_476 : f32
    %max3A_478 = arith.constant 1.000000e+00 : f32
    %max3A_479 = arith.maximumf %reduce_sum3A_474, %max3A_478 : f32
    %div3A_480 = arith.divf %reduce_sum3A_467, %max3A_479 : f32
    %eq3A_481 = arith.constant 0.000000e+00 : f32
    %eq3A_482 = arith.cmpf oeq, %while3A_449#1, %eq3A_481 : f32
    %eq3A_483 = arith.constant 0.000000e+00 : f32
    %eq3A_484 = arith.cmpf oeq, %reduce_sum3A_474, %eq3A_483 : f32
    %or3A = arith.ori %eq3A_482, %eq3A_484 : i1
    %neg3A = arith.constant 0.000000e+00 : f32
    %neg3A_485 = arith.subf %neg3A, %div3A_477 : f32
    %add3A_486 = arith.addf %neg3A_485, %div3A_480 : f32
    %jit3A_487 = arith.constant 0x7F800000 : f32
    %select_n3A_488 = arith.select %or3A, %jit3A_487, %add3A_486 : f32
    %div3A_489 = arith.constant 4.096000e+03 : f32
    %div3A_490 = arith.divf %reduce_sum3A_388, %div3A_489 : f32
    %abs3A_491 = math.absf %select_n3A_488 : f32
    %add3A_492 = arith.addf %div3A_490, %abs3A_491 : f32
    %get3A_493 = arith.constant 0 : index
    %get3A_494 = memref.load %arg10[%get3A_493] : memref<1xf32, #tpu.memory_space<smem>>
    %add3A_495 = arith.addf %get3A_494, %add3A_492 : f32
    %swap3A_496 = arith.constant 0 : index
    %swap3A_497 = memref.load %arg10[%swap3A_496] : memref<1xf32, #tpu.memory_space<smem>>
    memref.store %add3A_495, %arg10[%swap3A_496] : memref<1xf32, #tpu.memory_space<smem>>
    %get3A_498 = arith.constant 0 : index
    %get3A_499 = memref.load %arg10[%get3A_498] : memref<1xf32, #tpu.memory_space<smem>>
    %broadcast_in_dim3A_500 = vector.broadcast %get3A_499 : f32 to vector<8x128xf32>
    %swap3A_501 = arith.constant 0 : index
    %swap3A_502 = arith.constant 0 : index
    %swap3A_503 = arith.constant 0 : index
    %swap3A_504 = vector.load %arg8[%swap3A_501, %swap3A_502, %swap3A_503] : memref<1x8x128xf32, #tpu.memory_space<vmem>>, vector<1x8x128xf32>
    %swap3A_505 = vector.shape_cast %swap3A_504 : vector<1x8x128xf32> to vector<8x128xf32>
    %swap3A_506 = vector.shape_cast %broadcast_in_dim3A_500 : vector<8x128xf32> to vector<1x8x128xf32>
    tpu.vector_store %arg8[%swap3A_501, %swap3A_502, %swap3A_503], %swap3A_506 {strides = array<i32>} : memref<1x8x128xf32, #tpu.memory_space<vmem>>, vector<1x8x128xf32>,
    return
  }
  func.func @transform_0(%arg0: i32, %arg1: memref<64xi32, #tpu.memory_space<smem>>) -> (i32, i32, i32) {
    %c0_i32 = arith.constant 0 : i32
    %c0_i32_0 = arith.constant 0 : i32
    %c0_i32_1 = arith.constant 0 : i32
    return %arg0, %c0_i32, %c0_i32_0 : i32, i32, i32
  }
  func.func @transform_1(%arg0: i32, %arg1: memref<64xi32, #tpu.memory_space<smem>>) -> (i32, i32, i32) {
    %c0_i32 = arith.constant 0 : i32
    %c0_i32_0 = arith.constant 0 : i32
    %c0_i32_1 = arith.constant 0 : i32
    return %arg0, %c0_i32, %c0_i32_0 : i32, i32, i32
  }
  func.func @transform_2(%arg0: i32, %arg1: memref<64xi32, #tpu.memory_space<smem>>) -> (i32, i32, i32) {
    %c0_i32 = arith.constant 0 : i32
    %c0_i32_0 = arith.constant 0 : i32
    %c0_i32_1 = arith.constant 0 : i32
    return %arg0, %c0_i32, %c0_i32_0 : i32, i32, i32
  }
  func.func @transform_3(%arg0: i32, %arg1: memref<64xi32, #tpu.memory_space<smem>>) -> (i32, i32, i32) {
    %c0_i32 = arith.constant 0 : i32
    %c0_i32_0 = arith.constant 0 : i32
    %c0_i32_1 = arith.constant 0 : i32
    return %arg0, %c0_i32, %c0_i32_0 : i32, i32, i32
  }
  func.func @transform_4(%arg0: i32, %arg1: memref<64xi32, #tpu.memory_space<smem>>) -> (i32, i32, i32) {
    %c0_i32 = arith.constant 0 : i32
    %c0_i32_0 = arith.constant 0 : i32
    %c0_i32_1 = arith.constant 0 : i32
    return %arg0, %c0_i32, %c0_i32_0 : i32, i32, i32
  }
  func.func @transform_5(%arg0: i32, %arg1: memref<64xi32, #tpu.memory_space<smem>>) -> (i32, i32, i32) {
    %c0_i32 = arith.constant 0 : i32
    %c0_i32_0 = arith.constant 0 : i32
    %c0_i32_1 = arith.constant 0 : i32
    return %arg0, %c0_i32, %c0_i32_0 : i32, i32, i32
  }
  func.func @transform_6(%arg0: i32, %arg1: memref<64xi32, #tpu.memory_space<smem>>) -> (i32, i32, i32) {
    %c0_i32 = arith.constant 0 : i32
    %c0_i32_0 = arith.constant 0 : i32
    %c0_i32_1 = arith.constant 0 : i32
    %c0_i32_2 = arith.constant 0 : i32
    return %c0_i32, %c0_i32_0, %c0_i32_1 : i32, i32, i32
  }
}

</mosaic_0001>

<sc_bundles>
// kernel: _run.4.cloned.1.call-start
scs
__scs_entry_jumppad:
0x0: {  	(pc) =	sbr.rel $0x88, $3  }
0x1: {  	(tag) =	ssettag $0x0;
	lr =	simm.s32 $0x1  }
0x2: {  	[smem:$0x3F9F] =	sst lr;
	_ =	strace $0xD0000000  }
0x3: {  	_ = 	snop  }
0x4: {  	_ = 	snop  }
0x5: {  	_ = 	snop  }
0x6: {  	_ = 	snop  }
0x7: {  	_ = 	snop  }
__scs_overlays_trampoline_lowered:
0x8: {  	[smem:$0x3FAE] =	sst s0  }
0x9: {  	[smem:$0x3FAF] =	sst s1  }
0xa: {  	[smem:$0x3FB0] =	sst s2  }
0xb: {  	[smem:$0x3FB1] =	sst s3  }
0xc: {  	[smem:$0x3FB2] =	sst s4  }
0xd: {  	[smem:$0x3FB3] =	sst s5  }
0xe: {  	[smem:$0x3FB4] =	sst s6  }
0xf: {  	[smem:$0x3FB5] =	sst s7  }
0x10: {  	[smem:$0x3FB6] =	sst s8  }
0x11: {  	[smem:$0x3FB7] =	sst s9;
	s0 =	simm.s32 @!p0 $0x0  }
0x12: {  	s1 =	sld [smem:$0x3F9D];
	s0 =	simm.s32 @p0 $0x1  }
0x13: {  	[smem:$0x3FB8] =	sst s0;
	s0 =	simm.s32 @!p1 $0x0  }
0x14: {  	s2 =	sld [smem:$0x3F9C];
	s0 =	simm.s32 @p1 $0x1  }
0x15: {  	[smem:$0x3FB9] =	sst s0;
	s0 =	simm.s32 @!p2 $0x0  }
0x16: {  	s3 =	sld [smem:$0x3FDB];
	s0 =	simm.s32 @p2 $0x1  }
0x17: {  	s4 =	simm.s32 $0x1BF5;
	[smem:$0x3FBB] =	sst s0  }
0x18: {  	s0 =	sld [smem:$0x3F9E];
	_ =	swait.ge [sflag:s4], $0x0  }
0x19: {  	s7 =	sld [smem:$0x3F9F]  }
0x1a: {  	s8 =	sadd.s32 $0xFFFFE003, lr  }
0x1b: {  	s9 =	sadd.s32 $0xFFFFFEF7, lr;
	s5 =	simm.s32 $0xFFFFFFFF;
	p2 =	slt.u32 s8, $0xFFFFF086  }
0x1c: {  	p1 =	slt.u32 s9, $0xF7A;
	s5 =	simm.s32 @!p2 $0x0  }
0x1d: {  	s5 =	simm.s32 @p1 $0x1;
	p0 =	seq.s32 s7, s2  }
0x1e: {  	s7 =	smul.u32 @!p0 $0xF7A, s2;
	p2 =	seq.s32 @!p0 s5, $0x0  }
0x1f: {  	s9 =	smul.u32 $0xF7A, s1;
	s8 =	simm.s32 @!p0 $0x1BF5;
	p2 =	por !p2, p0  }
0x20: {  	[sflag:s8] =	ssyncset.s32 @!p0 $0xFFFFF086;
	s6 =	sadd.s32 @!p0 s3, s7;
	s7 =	simm.s32 @!p0 $0x108  }
0x21: {  	s3 =	sadd.s32 s3, s9;
	s6 =	sadd.s32 @!p0 $0x88, s6;
	s7 =	simm.s32 @p2 $0x1082  }
0x22: {  	[simem:s7], [sflag:s8] =	dma.local @!p0 [hbm:s6], $0xF7A  }
0x23: {  	s9 =	sor.u32 $0xD0000000, s2;
	s6 =	simm.s32 $0x108;
	_ =	swait.ge @!p0 [sflag:s8], $0x0  }
0x24: {  	s3 =	sadd.s32 $0x88, s3;
	s6 =	simm.s32 @!p1 $0x1082;
	[sflag:s4] =	ssyncset.s32 $0xFFFFF086  }
0x25: {  	[simem:s6], [sflag:s4] =	dma.local [hbm:s3], $0xF7A  }
0x26: {  	[smem:$0x3F9F] =	sst s1;
	(tag) =	ssettag s2;
	_ =	strace s9  }
0x27: {  	s1 =	sld [smem:$0x3FAF]  }
0x28: {  	s2 =	sld [smem:$0x3FB0]  }
0x29: {  	s4 =	sld [smem:$0x3FB2]  }
0x2a: {  	p0 =	seq.s32 s5, $0x0;
	s5 =	sld [smem:$0x3FB3]  }
0x2b: {  	s6 =	sld [smem:$0x3FB4]  }
0x2c: {  	s7 =	sld [smem:$0x3FB5]  }
0x2d: {  	s3 =	simm.s32 $0x108;
	s8 =	sld [smem:$0x3FB6]  }
0x2e: {  	s3 =	simm.s32 @!p0 $0x1082;
	s9 =	sld [smem:$0x3FB7]  }
0x2f: {  	lr =	sadd.s32 s0, s3;
	s0 =	sld [smem:$0x3FAE]  }
0x30: {  	s3 =	sld [smem:$0x3FB1]  }
0x31: {  	[smem:$0x3FBA] =	sst s10  }
0x32: {  	s10 =	sld [smem:$0x3FB8];
	_ =	sdelay $0x3  }
0x33: {  	p0 =	seq.s32 s10, $0x1;
	s10 =	sld [smem:$0x3FBA];
	_ =	sdelay $0x3  }
0x34: {  	[smem:$0x3FBA] =	sst s10  }
0x35: {  	s10 =	sld [smem:$0x3FB9];
	_ =	sdelay $0x3  }
0x36: {  	p1 =	seq.s32 s10, $0x1;
	s10 =	sld [smem:$0x3FBA];
	_ =	sdelay $0x3  }
0x37: {  	[smem:$0x3FBA] =	sst s10  }
0x38: {  	s10 =	sld [smem:$0x3FBB]  }
0x39: {  	_ = 	snop;
	(pc) =	sbr.ind lr, $3  }
0x3a: {  	_ = 	snop  }
0x3b: {  	_ = 	snop  }
0x3c: {  	p2 =	seq.s32 s10, $0x1;
	s10 =	sld [smem:$0x3FBA]  }
0x3d: {  	_ =	shalt  }
0x3e: {  	_ =	shalt  }
0x3f: {  	_ =	shalt  }
0x40: {  	_ =	shalt  }
0x41: {  	_ =	shalt  }
0x42: {  	_ =	shalt  }
0x43: {  	_ =	shalt  }
0x44: {  	_ =	shalt  }
0x45: {  	_ =	shalt  }
0x46: {  	_ =	shalt  }
0x47: {  	_ =	shalt  }
0x48: {  	_ =	shalt  }
0x49: {  	_ =	shalt  }
0x4a: {  	_ =	shalt  }
0x4b: {  	_ =	shalt  }
0x4c: {  	_ =	shalt  }
0x4d: {  	_ =	shalt  }
0x4e: {  	_ =	shalt  }
0x4f: {  	_ =	shalt  }
0x50: {  	_ =	shalt  }
0x51: {  	_ =	shalt  }
0x52: {  	_ =	shalt  }
0x53: {  	_ =	shalt  }
0x54: {  	_ =	shalt  }
0x55: {  	_ =	shalt  }
0x56: {  	_ =	shalt  }
0x57: {  	_ =	shalt  }
0x58: {  	_ =	shalt  }
0x59: {  	_ =	shalt  }
0x5a: {  	_ =	shalt  }
0x5b: {  	_ =	shalt  }
0x5c: {  	_ =	shalt  }
0x5d: {  	_ =	shalt  }
0x5e: {  	_ =	shalt  }
0x5f: {  	_ =	shalt  }
0x60: {  	_ =	shalt  }
0x61: {  	_ =	shalt  }
0x62: {  	_ =	shalt  }
0x63: {  	_ =	shalt  }
0x64: {  	_ =	shalt  }
0x65: {  	_ =	shalt  }
0x66: {  	_ =	shalt  }
0x67: {  	_ =	shalt  }
0x68: {  	_ =	shalt  }
0x69: {  	_ =	shalt  }
0x6a: {  	_ =	shalt  }
0x6b: {  	_ =	shalt  }
0x6c: {  	_ =	shalt  }
0x6d: {  	_ =	shalt  }
0x6e: {  	_ =	shalt  }
0x6f: {  	_ =	shalt  }
0x70: {  	_ =	shalt  }
0x71: {  	_ =	shalt  }
0x72: {  	_ =	shalt  }
0x73: {  	_ =	shalt  }
0x74: {  	_ =	shalt  }
0x75: {  	_ =	shalt  }
0x76: {  	_ =	shalt  }
0x77: {  	_ =	shalt  }
0x78: {  	_ =	shalt  }
0x79: {  	_ =	shalt  }
0x7a: {  	_ =	shalt  }
0x7b: {  	_ =	shalt  }
0x7c: {  	_ =	shalt  }
0x7d: {  	_ =	shalt  }
0x7e: {  	_ =	shalt  }
0x7f: {  	_ =	shalt  }
0x80: {  	_ =	shalt  }
0x81: {  	_ =	shalt  }
0x82: {  	_ =	shalt  }
0x83: {  	_ =	shalt  }
0x84: {  	_ =	shalt  }
0x85: {  	_ =	shalt  }
0x86: {  	_ =	shalt  }
0x87: {  	_ =	shalt  }
.Lfunc_end0:
.L_simem_size_0:
called_computation_lowered:
.L_overlay_start_0:
0x88: {  	s2 =	sld [smem:$0x3FD9]  }
0x89: {  	s3 =	sld [smem:$0x3FFE];
	_ =	sdelay $0x1  }
0x8a: {  	s1 =	srdreg.scid  }
0x8b: {  	s0 =	sand.u32 $0x1, s1  }
0x8c: {  	s16 =	sshll.u32 s0, $0xA;
	s2 =	sadd.s32 s3, s2  }
0x8d: {  	s2 =	sadd.s32 s2, s16  }
0x8e: {  	[smem:$0x3FC6] =	sst s2  }
0x8f: {  	_ = 	snop  }
0x90: {  	(tm) =	ssettm $0x1  }
0x91: {  	s17 =	sld [smem:$0x3FFB];
	_ =	sdelay $0x3  }
0x92: {  	_ =	strace s17  }
0x93: {  	s2 =	sld [smem:$0x3FFC];
	_ =	sdelay $0x3  }
0x94: {  	_ =	strace s2  }
0x95: {  	s2 =	sld [smem:$0x3FFD];
	_ =	sdelay $0x3  }
0x96: {  	_ =	strace s2  }
0x97: {  	_ =	strace $0x8FFFFFFF  }
0x98: {  	s18 =	sld [smem:$0x3FDB];
	_ =	sdelay $0x1  }
0x99: {  	s19 =	simm.s32 $_scs_section_size  }
0x9a: {  	s4 =	simm.s32 $_size__tile_overlayer_lowered;
	s5 =	simm.s32 $_tile_overlayer_lowered  }
0x9b: {  	s22 =	simm.s32 $0x1BFF;
	s21 =	sshll.u32 s5, $0x1;
	s2 =	sadd.s32 s19, s18  }
0x9c: {  	s6 =	simm.s32 $0x0;
	s20 =	sshll.u32 s4, $0x1;
	s4 =	sadd.s32 s21, s2  }
0x9d: {  	[timem:s6], [sflag:s22] =	dma.local [hbm:s4], s20  }
0x9e: {  	_ =	swait.ge [sflag:s22], s20  }
0x9f: {  	s3 =	ssub.s32 $0x0, s20;
	[sflag:s22] =	ssyncset.done $0x0  }
0xa0: {  	[sflag:s22] =	ssyncadd.s32 s3;
	_ =	sdelay $0x1  }
0xa1: {  	s23 =	simm.s32 $0x1B8B  }
0xa2: {  	_ =	swait.ge [sflag:s23], $0x1  }
0xa3: {  	[sflag:s23] =	ssyncset.done $0x0  }
0xa4: {  	s25 =	simm.s32 $0x1B8E;
	s24 =	sld [smem:$0x3FFE];
	[sflag:s23] =	ssyncadd.s32 $0xFFFFFFFF  }
0xa5: {  	s26 =	simm.s32 $execute0_lowered;
	[smem:$0x3FD2] =	sst s25  }
0xa6: {  	s4 =	sshll.u32 s26, $0x1;
	_ =	strace $0x80000046;
	[dreg:$0x1] =	wrdreg $0xFFFFFFFF  }
0xa7: {  	s28 =	simm.s32 $_size_execute0_lowered;
	s2 =	sadd.s32 s2, s4;
	[dreg:$0x0] =	wrdreg $0x0  }
0xa8: {  	s4 =	sshll.u32 s28, $0x1;
	[dreg:$0x2] =	wrdreg s2  }
0xa9: {  	[dreg:$0x3] =	wrdreg s4  }
0xaa: {  	[dreg:$0x4] =	wrdreg $0xC0  }
0xab: {  	_ =	task [dreg:s6], $0x5FFFF  }
0xac: {  	[dreg:$0x1] =	wrdreg $0xFFFFFFFF  }
0xad: {  	[dreg:$0x0] =	wrdreg $0x60  }
0xae: {  	[dreg:$0x2] =	wrdreg s24  }
0xaf: {  	[dreg:$0x3] =	wrdreg $0x9  }
0xb0: {  	_ =	task.clear_ibuf [dreg:s6], $0x4FFFF;
	_ =	strace $0x90000046  }
0xb1: {  	s29 =	simm.s32 $0x9;
	_ =	strace $0x80000048  }
0xb2: {  	_ =	swait.ge [sflag:s29], $0x1  }
0xb3: {  	[sflag:s29] =	ssyncadd.s32 $0xFFFFFFFF  }
0xb4: {  	_ =	strace $0x90000048  }
0xb5: {  	_ =	sfence  }
0xb6: {  	s30 =	sld [smem:$0x0];
	_ =	sdelay $0x2  }
0xb7: {  	s31 =	sshll.u32 s1, $0xD;
	s1 =	sshrl.u32 s1, $0x2  }
0xb8: {  	s3 =	sand.u32 $0x4000, s31;
	s1 =	sadd.s32 s1, s30  }
0xb9: {  	s0 =	sor.u32 s3, s0;
	s1 =	sshll.u32 s1, $0x11  }
0xba: {  	s0 =	sor.u32 s1, s0  }
0xbb: {  	s0 =	sadd.s32 $0x8F2B, s0  }
0xbc: {  	[sflag:s0] =	ssyncadd.remote.s32 $0x1  }
0xbd: {  	_ =	sfence.sel $0xFFFF  }
0xbe: {  	[dreg:$0x0] =	wrdreg $0xFFFFFFFF;
	(pc) =	sbr.abs _section_cstart, $3  }
0xbf: {  	[dreg:$0x1] =	wrdreg $0xFFFFFFFF  }
0xc0: {  	_ =	task.clear_ibuf [dreg:s6], $0x2FFFF;
	_ =	strace $0x9FFFFFFF  }
0xc1: {  	(tm) =	ssettm $0x7FFFFFFF  }
tec
execute0_lowered:
.L_overlay_start_1:
0x0: {  	(tag) =	ssettag $0x1  }
0x1: {  	s1 =	stileid.u32  }
0x2: {  	p0 =	sgt.u32 s1, $0x1  }
.Ltmp0:
0x3: {  	_ = 	snop;
	(pc) =	sbr.rel @p0 .LBB2_7-.Ltmp0, $4  }
0x4: {  	_ = 	snop  }
0x5: {  	s3 =	rddreg [dreg:$0x0];
	s2 =	simm.s32 $0x0  }
0x6: {  	[smem:$0x7FF] =	sst s2  }
0x7: {  	s0 =	rddreg [dreg:$0x1];
	_ =	strace $0x80000047  }
0x8: {  	s4 =	srdreg.scid  }
0x9: {  	s24 =	sshll.u32 s1, $0x1;
	s6 =	sadd.s32 $0xE00, s3;
	s8 =	sadd.s32 $0x1200, s3  }
0xa: {  	s5 =	sadd.s32 $0x2800, s3;
	s9 =	sadd.s32 $0x3000, s3;
	s7 =	sand.u32 $0x1, s4  }
0xb: {  	s10 =	simm.s32 $0x1;
	s11 =	sadd.s32 $0x1800, s3;
	s4 =	sor.u32 s7, s24  }
0xc: {  	s14 =	sshll.u32 s1, $0x4;
	p1 =	seq.s32 s7, $0x1;
	p0 =	seq.s32 s4, $0x0  }
0xd: {  	s12 =	sadd.s32 $0x2000, s3;
	s9 =	sadd.s32 s9, s14;
	p0 =	por !p0, !p1  }
0xe: {  	s15 =	sadd.s32 s5, s14;
	s4 =	sshll.u32 s4, $0x4;
	p0 =	por !p0, !p0  }
0xf: {  	s30 =	ssub.s32 $0x2, s7;
	s25 =	sadd.s32 s4, s3;
	s10 =	simm.s32 @!p0 $0x0  }
0x10: {  	s31 =	sshrl.u32 s30, $0x1;
	s3 =	sadd.s32 $0x1600, s25;
	s26 =	ssub.s32 s1, s10  }
0x11: {  	p0 =	seq.s32 s7, $0x0;
	s10 =	sshll.u32 s26, $0xD;
	s13 =	sshll.u32 s26, $0x7  }
0x12: {  	s4 =	sshll.u32 s26, $0xC;
	s10 =	sand.u32 $0xFFFFC000, s10;
	s13 =	sand.u32 $0x80, s13  }
0x13: {  	s16 =	sand.u32 $0xFFFFE000, s4;
	s4 =	simm.s32 $0x1;
	s10 =	sor.u32 s13, s10  }
0x14: {  	s28 =	sor.u32 s13, s16;
	s13 =	sadd.s32 s6, s14;
	s10 =	sshrl.u32 s10, $0x3  }
0x15: {  	s14 =	simm.s32 $0x0;
	s29 =	sshrl.u32 s28, $0x3;
	s5 =	sadd.s32 s12, s10  }
0x16: {  	s6 =	sadd.s32 s8, s29;
	s7 =	sadd.s32 s11, s10;
	s8 =	ssub.s32 s30, s31  }
0x17: {  	s10 =	simm.s32 $0x100;
	s11 =	simm.s32 $0x1080;
	s12 =	simm.s32 $0x3100  }
0x18: {  	v0 =	vimm.f32 $1.000000000e+00;
	v1 =	vlaneseq.u32;
	s6 =	smov.u32 @p0 s13;
	s8 =	smax.u32 s8, $0x1;
	s7 =	smov.u32 @p0 s15  }
0x19: {  	v2 =	vimm.f32 $1.000000000e+09;
	v4 =	vimm.s32 $0x0;
	v3 =	vor.u32 $0x2000, v1;
	s5 =	smov.u32 @p0 s9;
	s9 =	simm.s32 $0x80;
	s13 =	simm.s32 $0x5180  }
.LBB2_2:
0x1a: {  	s15 =	simm.s32 $0x0  }
0x1b: {  	[tilespmem:s15], [sflag:$0x1] =	stream.strided.gather [hbm4b:s6+s9], $0x1000, s10, s9, $0x38;
	[tilespmem:$0x5200] =	vst v63  }
0x1c: {  	_ =	swait.ge [sflag:s4], $0x1000  }
0x1d: {  	[sflag:s4] =	ssyncset.done $0x0  }
0x1e: {  	[sflag:s4] =	ssyncadd.s32 $0xFFFFF000  }
0x1f: {  	[tilespmem:$0x1000] =	vst v0  }
0x20: {  	[tilespmem:$0x1010] =	vst v0  }
0x21: {  	[tilespmem:$0x1020] =	vst v0  }
0x22: {  	[tilespmem:$0x1030] =	vst v0  }
0x23: {  	s16 =	simm.s32 $0x200;
	s15 =	simm.s32 $0x0;
	[tilespmem:$0x1040] =	vst v0  }
.LBB2_3:
0x24: {  	p0 =	sne.s32 s16, $0x7E00;
	[tilespmem:s15+$0x3170] =	vst v2  }
0x25: {  	[tilespmem:s15+$0x1080] =	vst v2  }
0x26: {  	[tilespmem:s15+$0x3100] =	vst v2  }
0x27: {  	[tilespmem:s15+$0x1090] =	vst v2  }
0x28: {  	[tilespmem:s15+$0x3110] =	vst v2  }
0x29: {  	[tilespmem:s15+$0x10A0] =	vst v2  }
0x2a: {  	[tilespmem:s15+$0x3120] =	vst v2  }
0x2b: {  	[tilespmem:s15+$0x10B0] =	vst v2  }
0x2c: {  	[tilespmem:s15+$0x3130] =	vst v2  }
0x2d: {  	[tilespmem:s15+$0x10C0] =	vst v2  }
0x2e: {  	[tilespmem:s15+$0x3140] =	vst v2  }
.Ltmp1:
0x2f: {  	[tilespmem:s15+$0x10D0] =	vst v2;
	(pc) =	sbr.rel @p0 .LBB2_3-.Ltmp1, $4  }
0x30: {  	[tilespmem:s15+$0x3150] =	vst v2  }
0x31: {  	[tilespmem:s15+$0x10E0] =	vst v2  }
0x32: {  	[tilespmem:s15+$0x3160] =	vst v2  }
0x33: {  	[tilespmem:s15+$0x10F0] =	vst v2;
	s15 =	sshra.s32 s16, $0x2;
	s16 =	sadd.s32 $0x200, s16  }
0x34: {  	[tilespmem:s15+$0x3170] =	vst v2  }
0x35: {  	[tilespmem:s15+$0x1080] =	vst v2  }
0x36: {  	[tilespmem:s15+$0x3100] =	vst v2  }
0x37: {  	[tilespmem:s15+$0x1090] =	vst v2  }
0x38: {  	[tilespmem:s15+$0x3110] =	vst v2  }
0x39: {  	[tilespmem:s15+$0x10A0] =	vst v2  }
0x3a: {  	[tilespmem:s15+$0x3120] =	vst v2  }
0x3b: {  	[tilespmem:s15+$0x10B0] =	vst v2  }
0x3c: {  	[tilespmem:s15+$0x3130] =	vst v2  }
0x3d: {  	[tilespmem:s15+$0x10C0] =	vst v2  }
0x3e: {  	[tilespmem:s15+$0x3140] =	vst v2  }
0x3f: {  	[tilespmem:s15+$0x10D0] =	vst v2  }
0x40: {  	[tilespmem:s15+$0x3150] =	vst v2  }
0x41: {  	[tilespmem:s15+$0x10E0] =	vst v2  }
0x42: {  	[tilespmem:s15+$0x3160] =	vst v2  }
0x43: {  	[tilespmem:s15+$0x10F0] =	vst v2  }
0x44: {  	[tilespmem:$0x3080] =	vst v2  }
0x45: {  	s15 =	simm.s32 $0x0;
	[tilespmem:$0x5100] =	vst v2  }
0x46: {  	v5 =	vld [tilespmem:s15+$0x0]  }
0x47: {  	v6 =	vld [tilespmem:s15+$0x40];
	_ =	sdelay $0x2  }
0x48: {  	v7 =	vld [tilespmem:s15+$0x1];
	_ =	sdelay $0x1  }
0x49: {  	v8 =	vand.u32 $0x7FFFFFFF, v5;
	v9 =	vand.u32 $0x7FFFFFFF, v6  }
0x4a: {  	v9 =	vadd.f32 v9, v8;
	_ =	sdelay $0x1  }
0x4b: {  	v10 =	vand.u32 $0x7FFFFFFF, v7;
	v9 =	vadd.f32 $9.999999930e-09, v9  }
0x4c: {  	v10 =	vadd.f32 v10, v8  }
0x4d: {  	(erf) = vrcp.f32 v9  }
0x4e: {  	v9 =	vadd.f32 $9.999999930e-09, v10;
	_ =	sdelay $0x1  }
0x4f: {  	(erf) = vrcp.f32 v9  }
0x50: {  	v10 =	vmul.f32 v6, v5  }
0x51: {  	vm0 =	veq.f32 v5, $0.0e+00;
	vm1 =	veq.f32 v6, $0.0e+00;
	v9 =	vmul.f32 v7, v5  }
0x52: {  	vm3 =	vmor vm1, vm0;
	v6 =	vmov s15;
	vm2 =	vlt.f32 v10, $0.0e+00  }
0x53: {  	vm10 =	veq.f32 v7, $0.0e+00;
	vm9 =	vlt.u32 v6, $0xFC0;
	vm2 =	vmor vm3, vm2  }
0x54: {  	vm6 =	vne.f32 v5, $0.0e+00;
	vm5 =	vmor vm10, vm0;
	vm2 =	vmand vm9, vm2  }
0x55: {  	vm1 =	vmand vm1, vm6;
	vm4 =	vlt.f32 v9, $0.0e+00;
	v11 =	vsel vm2, $0x10, v4;
	v9 =	vpop (erf)  }
0x56: {  	v6 =	vshrl.u32 v6, $0x6;
	v10 =	vlaneseq.u32;
	v5 =	vmul.f32 v9, v8  }
0x57: {  	v6 =	vcvt.s32.f32 v6;
	v7 =	vadd.s32 v10, v11;
	v10 =	vsel vm2, v10, v3  }
0x58: {  	vm11 =	vmor vm5, vm4;
	v9 =	vor.u32 s15, v1;
	v11 =	vpop (erf);
	v5 =	vsel vm1, $0x3F800000, v5  }
0x59: {  	v8 =	vmul.f32 v11, v8;
	v11 =	vsel vm11, v7, v3;
	v5 =	vsel vm0, $0x80000000, v5  }
0x5a: {  	vm12 =	vmand vm10, vm6;
	v9 =	vand.u32 $0x2F, v9;
	v5 =	vadd.f32 v6, v5  }
0x5b: {  	v9 =	vcvt.s32.f32 v9;
	v8 =	vsel vm12, $0x3F800000, v8  }
0x5c: {  	v8 =	vsel vm0, $0x80000000, v8;
	[tilespmem:v10+s11+$0x0] =	vst.idx.msk $0xffff, v5  }
0x5d: {  	v5 =	vadd.f32 v9, v8;
	[tilespmem:v10+s12+$0x0] =	vst.idx.msk $0xffff, v9  }
0x5e: {  	[tilespmem:v11+s11+$0x0] =	vst.idx.msk $0xffff, v6  }
0x5f: {  	[tilespmem:v11+s12+$0x0] =	vst.idx.msk $0xffff, v5  }
0x60: {  	v5 =	vld [tilespmem:s15+$0x10]  }
0x61: {  	v6 =	vld [tilespmem:s15+$0x50];
	_ =	sdelay $0x2  }
0x62: {  	v8 =	vld [tilespmem:s15+$0x11];
	_ =	sdelay $0x1  }
0x63: {  	v9 =	vand.u32 $0x7FFFFFFF, v5;
	v10 =	vand.u32 $0x7FFFFFFF, v6  }
0x64: {  	v10 =	vadd.f32 v10, v9;
	_ =	sdelay $0x1  }
0x65: {  	v11 =	vand.u32 $0x7FFFFFFF, v8;
	v10 =	vadd.f32 $9.999999930e-09, v10  }
0x66: {  	v11 =	vadd.f32 v11, v9  }
0x67: {  	(erf) = vrcp.f32 v10  }
0x68: {  	v10 =	vadd.f32 $9.999999930e-09, v11;
	_ =	sdelay $0x1  }
0x69: {  	vm1 =	veq.f32 v6, $0.0e+00;
	(erf) = vrcp.f32 v10  }
0x6a: {  	vm0 =	veq.f32 v5, $0.0e+00;
	vm14 =	veq.f32 v8, $0.0e+00;
	vm12 =	vne.f32 v5, $0.0e+00  }
0x6b: {  	s16 =	simm.s32 $0x10;
	vm15 =	vmor vm14, vm0;
	v11 =	vmul.f32 v6, v5;
	v6 =	vmul.f32 v8, v5  }
0x6c: {  	vm9 =	vmor vm1, vm0;
	vm1 =	vmand vm1, vm12;
	v8 =	vmov s16  }
0x6d: {  	v10 =	vsel vm11, $0x10, v4;
	vm13 =	vlt.f32 v11, $0.0e+00;
	vm10 =	vlt.f32 v6, $0.0e+00  }
0x6e: {  	v6 =	vor.u32 s16, v1;
	vm11 =	vlt.u32 v8, $0xFC0;
	v8 =	vshrl.u32 v8, $0x6  }
0x6f: {  	vm2 =	vmor vm9, vm13;
	vm4 =	vmor vm15, vm10;
	v7 =	vadd.s32 v10, v7;
	v11 =	vpop (erf)  }
0x70: {  	v10 =	vand.u32 $0x3F, v6;
	vm2 =	vmand vm11, vm2;
	v5 =	vmul.f32 v11, v9  }
0x71: {  	v6 =	vcvt.s32.f32 v8;
	vm13 =	vne.s32 v10, $0x3F;
	v11 =	vsel vm2, v7, v3  }
0x72: {  	v12 =	vsel vm2, $0x10, v4;
	vm15 =	vmand vm13, vm4;
	v8 =	vpop (erf);
	v5 =	vsel vm1, $0x3F800000, v5  }
0x73: {  	v8 =	vmul.f32 v8, v9;
	v9 =	vadd.s32 v7, v12;
	v5 =	vsel vm0, $0x80000000, v5  }
0x74: {  	vm14 =	vmand vm14, vm12;
	v7 =	vsel vm15, v9, v3;
	v5 =	vadd.f32 v6, v5  }
0x75: {  	v10 =	vcvt.s32.f32 v10;
	v8 =	vsel vm14, $0x3F800000, v8  }
0x76: {  	v63 =	vsel vm15, $0x10, v4;
	v8 =	vsel vm0, $0x80000000, v8;
	[tilespmem:v11+s11+$0x0] =	vst.idx.msk $0xffff, v5  }
0x77: {  	s16 =	simm.s32 $0x20;
	v5 =	vadd.s32 v63, v9;
	v8 =	vadd.f32 v10, v8;
	[tilespmem:v11+s12+$0x0] =	vst.idx.msk $0xffff, v10  }
.LBB2_5:
0x78: {  	p0 =	sne.s32 s16, $0xFE0  }
0x79: {  	[tilespmem:v7+s11+$0x0] =	vst.idx.msk $0xffff, v6;
	s15 =	sadd.s32 $0x20, s15;
	s17 =	smov.u32 s16;
	s16 =	sadd.s32 $0x20, s16  }
0x7a: {  	[tilespmem:v7+s12+$0x0] =	vst.idx.msk $0xffff, v8  }
0x7b: {  	v6 =	vld [tilespmem:s15+$0x0]  }
0x7c: {  	v7 =	vld [tilespmem:s15+$0x40]  }
0x7d: {  	v8 =	vld [tilespmem:s15+$0x1];
	_ =	sdelay $0x2  }
0x7e: {  	v9 =	vmov s17;
	vm0 =	veq.f32 v6, $0.0e+00  }
0x7f: {  	v11 =	vand.u32 $0x7FFFFFFF, v6;
	v10 =	vmul.f32 v7, v6;
	v12 =	vand.u32 $0x7FFFFFFF, v7  }
0x80: {  	vm1 =	veq.f32 v7, $0.0e+00;
	v7 =	vadd.f32 v12, v11;
	v12 =	vand.u32 $0x7FFFFFFF, v8  }
0x81: {  	vm3 =	vmor vm1, vm0;
	vm2 =	vlt.f32 v10, $0.0e+00;
	v10 =	vadd.f32 v12, v11  }
0x82: {  	v7 =	vadd.f32 $9.999999930e-09, v7;
	vm2 =	vmor vm3, vm2;
	vm3 =	vlt.u32 v9, $0xFC0  }
0x83: {  	v12 =	vmul.f32 v8, v6;
	vm2 =	vmand vm3, vm2;
	v10 =	vadd.f32 $9.999999930e-09, v10  }
0x84: {  	vm3 =	veq.f32 v8, $0.0e+00;
	v13 =	vsel vm2, $0x10, v4;
	(erf) = vrcp.f32 v7  }
0x85: {  	vm4 =	vlt.f32 v12, $0.0e+00;
	v7 =	vadd.s32 v5, v13;
	(erf) = vrcp.f32 v10  }
0x86: {  	v8 =	vshrl.u32 v9, $0x6;
	vm5 =	vmor vm3, vm0;
	_ =	sdelay $0x6  }
0x87: {  	v9 =	vor.u32 s17, v1;
	v10 =	vpop (erf)  }
0x88: {  	vm6 =	vne.f32 v6, $0.0e+00;
	v8 =	vcvt.s32.f32 v8;
	v6 =	vmul.f32 v10, v11;
	v10 =	vpop (erf)  }
0x89: {  	vm1 =	vmand vm1, vm6;
	v5 =	vsel vm2, v5, v3;
	v10 =	vmul.f32 v10, v11  }
0x8a: {  	vm2 =	vmor vm5, vm4;
	v6 =	vsel vm1, $0x3F800000, v6;
	vm1 =	vmand vm3, vm6  }
0x8b: {  	v11 =	vsel vm2, v7, v3;
	v6 =	vsel vm0, $0x80000000, v6;
	v10 =	vsel vm1, $0x3F800000, v10  }
0x8c: {  	v9 =	vand.u32 $0x2F, v9;
	v6 =	vadd.f32 v8, v6;
	v10 =	vsel vm0, $0x80000000, v10  }
0x8d: {  	v9 =	vcvt.s32.f32 v9;
	v12 =	vsel vm2, $0x10, v4  }
0x8e: {  	[tilespmem:v5+s11+$0x0] =	vst.idx.msk $0xffff, v6  }
0x8f: {  	[tilespmem:v5+s12+$0x0] =	vst.idx.msk $0xffff, v9;
	v5 =	vadd.f32 v9, v10  }
0x90: {  	[tilespmem:v11+s11+$0x0] =	vst.idx.msk $0xffff, v8  }
0x91: {  	[tilespmem:v11+s12+$0x0] =	vst.idx.msk $0xffff, v5  }
0x92: {  	v5 =	vld [tilespmem:s15+$0x10]  }
0x93: {  	v6 =	vld [tilespmem:s15+$0x50];
	_ =	sdelay $0x2  }
0x94: {  	v8 =	vld [tilespmem:s15+$0x11]  }
0x95: {  	v9 =	vand.u32 $0x7FFFFFFF, v5  }
0x96: {  	v10 =	vmul.f32 v6, v5;
	v11 =	vand.u32 $0x7FFFFFFF, v6  }
0x97: {  	v11 =	vadd.f32 v11, v9  }
0x98: {  	vm2 =	veq.f32 v6, $0.0e+00;
	vm3 =	vlt.f32 v10, $0.0e+00  }
0x99: {  	v6 =	vadd.f32 $9.999999930e-09, v11;
	v10 =	vmul.f32 v8, v5;
	v11 =	vand.u32 $0x7FFFFFFF, v8  }
0x9a: {  	s17 =	sadd.s32 $0x10, s17;
	vm0 =	veq.f32 v5, $0.0e+00;
	vm1 =	veq.f32 v8, $0.0e+00;
	v8 =	vadd.f32 v11, v9  }
0x9b: {  	v11 =	vmov s17;
	vm4 =	vmor vm1, vm0;
	(erf) = vrcp.f32 v6  }
0x9c: {  	vm5 =	vmor vm2, vm0;
	vm6 =	vlt.f32 v10, $0.0e+00;
	v6 =	vadd.f32 $9.999999930e-09, v8  }
0x9d: {  	vm3 =	vmor vm5, vm3;
	v8 =	vor.u32 s17, v1;
	vm4 =	vmor vm4, vm6  }
0x9e: {  	v10 =	vshrl.u32 v11, $0x6;
	v8 =	vand.u32 $0x3F, v8;
	(erf) = vrcp.f32 v6;
	_ =	sdelay $0x4  }
0x9f: {  	vm5 =	vlt.u32 v11, $0xFC0  }
0xa0: {  	vm3 =	vmand vm5, vm3;
	v6 =	vcvt.s32.f32 v10;
	vm5 =	vne.s32 v8, $0x3F;
	v10 =	vpop (erf)  }
0xa1: {  	v12 =	vadd.s32 v12, v7;
	vm6 =	vne.f32 v5, $0.0e+00;
	v5 =	vmul.f32 v10, v9  }
0xa2: {  	vm2 =	vmand vm2, vm6;
	v11 =	vsel vm3, $0x10, v4;
	v10 =	vsel vm3, v12, v3  }
0xa3: {  	v11 =	vadd.s32 v12, v11;
	v5 =	vsel vm2, $0x3F800000, v5;
	vm2 =	vmand vm5, vm4;
	v7 =	vpop (erf)  }
.Ltmp2:
0xa4: {  	v5 =	vsel vm0, $0x80000000, v5;
	v9 =	vmul.f32 v7, v9;
	v7 =	vsel vm2, v11, v3;
	(pc) =	sbr.rel @p0 .LBB2_5-.Ltmp2, $4  }
0xa5: {  	vm1 =	vmand vm1, vm6;
	v12 =	vadd.f32 v6, v5;
	v5 =	vsel vm2, $0x10, v4  }
0xa6: {  	v8 =	vcvt.s32.f32 v8;
	v9 =	vsel vm1, $0x3F800000, v9;
	v5 =	vadd.s32 v5, v11  }
0xa7: {  	[tilespmem:v10+s11+$0x0] =	vst.idx.msk $0xffff, v12;
	v9 =	vsel vm0, $0x80000000, v9  }
0xa8: {  	[tilespmem:v10+s12+$0x0] =	vst.idx.msk $0xffff, v8;
	v8 =	vadd.f32 v8, v9  }
0xa9: {  	_ =	sdelay $0x3  }
0xaa: {  	[tilespmem:v7+s11+$0x0] =	vst.idx.msk $0xffff, v6  }
0xab: {  	[tilespmem:v7+s12+$0x0] =	vst.idx.msk $0xffff, v8  }
0xac: {  	[tilespmem:$0x5180] =	vst v5  }
0xad: {  	[hbm4b:s7+s9] =	stream.strided.scatter [tilespmem:s11], [sflag:$0x1], $0x2000, s10, s9, $0x38;
	[tilespmem:$0x5200] =	vst v63  }
0xae: {  	_ =	swait.ge [sflag:s4], $0x2000  }
0xaf: {  	[sflag:s4] =	ssyncset.done $0x0  }
0xb0: {  	[sflag:s4] =	ssyncadd.s32 $0xFFFFE000  }
0xb1: {  	[hbm4b:s5+s9] =	stream.strided.scatter [tilespmem:s12], [sflag:$0x1], $0x2000, s10, s9, $0x38;
	[tilespmem:$0x5200] =	vst v63  }
0xb2: {  	s14 =	sadd.s32 $0x1, s14;
	_ =	swait.ge [sflag:s4], $0x2000  }
0xb3: {  	p0 =	sne.s32 s14, s8;
	[sflag:s4] =	ssyncset.done $0x0  }
.Ltmp3:
0xb4: {  	[sflag:s4] =	ssyncadd.s32 $0xFFFFE000;
	(pc) =	sbr.rel @p0 .LBB2_2-.Ltmp3, $4  }
0xb5: {  	[hbm4b:s3+s2] =	stream.linear.scatter [tilespmem:s13], [sflag:$0x1], $0x80, $0x38;
	[tilespmem:$0x5200] =	vst v63  }
0xb6: {  	_ =	swait.ge [sflag:s4], $0x80  }
0xb7: {  	[sflag:s4] =	ssyncset.done $0x0  }
0xb8: {  	[sflag:s4] =	ssyncadd.s32 $0xFFFFFF80  }
.LBB2_7:
0xb9: {  	_ =	sfence.sel $0x180000  }
0xba: {  	[bflag:$0x0] =	sbarrier.arrive $0xFFFF  }
0xbb: {  	p0 =	sne.s32 s1, $0x0;
	_ =	strace $0x90000047  }
0xbc: {  	s0 =	sadd.s32 @!p0 $0x100000, s0;
	[bflag:$0x2] =	sbarrier.arrive $0xFFFF  }
0xbd: {  	[sflag:s0] =	ssyncadd.tile.s32 @!p0 $0x1;
	_ =	shalt  }
.Lfunc_end2:
_tile_overlayer_lowered:
.L_overlay_start_2:
0xbe: {  	(tag) =	ssettag $0x2  }
0xbf: {  	s0 =	rddreg [dreg:$0x0];
	s2 =	stileid.u32  }
0xc0: {  	s1 =	rddreg [dreg:$0x1];
	p0 =	sne.s32 s2, $0x0  }
0xc1: {  	s3 =	rddreg [dreg:$0x2];
	[bflag:$0x3] =	sbarrier.arrive $0xFFFF;
	s2 =	simm.s32 @!p0 $0x1C01  }
0xc2: {  	[timem:s3], [sflag:s2] =	dma.local @!p0 [hbm:s0], s1  }
0xc3: {  	s0 =	simm.s32 @!p0 $0x1  }
0xc4: {  	_ =	swait.ge @!p0 [sflag:s0], s1  }
0xc5: {  	s1 =	ssub.s32 @!p0 $0x0, s1;
	[sflag:s0] =	ssyncset.done @!p0 $0x0  }
0xc6: {  	[sflag:s0] =	ssyncadd.s32 @!p0 s1  }
0xc7: {  	[bflag:$0x3] =	sbarrier.arrive $0xFFFF  }
0xc8: {  	_ =	shalt  }

</sc_bundles>
